<compile_context>
chip_gen: v7x
topology: tpu7x:2x2x1
jax: 0.10.2.dev20260603
libtpu: 0.0.44.dev20260713+nightly
codegen_flags: <defaults>
</compile_context>

<pallas_src>
import functools

import jax
import jax.numpy as jnp
from jax import lax
from jax.experimental import pallas as pl
from jax.experimental.pallas import tpu as pltpu
from jax.experimental.pallas import tpu_sc as plsc

BATCH = 16384
VOCABP1 = 100001
DIM = 64
FIELDS = 4
LANES = 16

_NC = 2
_NS = 16
_NW = _NC * _NS
_R = BATCH // _NW
_CG = DIM // LANES

_TBLK = 16384
_THALF = _TBLK // 2
_TGRID = (VOCABP1 + _TBLK - 1) // _TBLK

_mesh = plsc.VectorSubcoreMesh(core_axis_name="c", subcore_axis_name="s")
_params = pltpu.CompilerParams(use_tc_tiling_on_sc=False)


_LINROWS = _THALF * _TGRID


def _transpose_body(tt_ref, out_ref):
    x = tt_ref[...]
    x2 = jnp.concatenate([x[:, :_THALF], x[:, _THALF:]], axis=0)
    eye = jnp.eye(2 * DIM, dtype=jnp.float32)
    out_ref[...] = jax.lax.dot_general(x2, eye, (((0,), (0,)), ((), ())),
                                       preferred_element_type=jnp.float32)


_transpose_flat = pl.pallas_call(
    _transpose_body,
    grid=(_TGRID,),
    in_specs=[pl.BlockSpec((DIM, _TBLK), lambda j: (0, j))],
    out_specs=pl.BlockSpec((_THALF, 128), lambda j: (j, 0)),
    out_shape=jax.ShapeDtypeStruct((_LINROWS, 128), jnp.float32),
)


def _permute_indices(idx_v):
    def ibody(i, carry):
        v = idx_v[pl.ds(i * LANES, LANES)]
        t = v & (_TBLK - 1)
        two_t = t + t
        idx_v[pl.ds(i * LANES, LANES)] = (v - t) + jnp.where(
            t < _THALF, two_t, two_t - (_TBLK - 1))
        return carry

    lax.fori_loop(0, idx_v.shape[0] // LANES, ibody, 0)


_RC = 256
_NCH = _R // _RC


@functools.partial(
    pl.kernel,
    out_type=jax.ShapeDtypeStruct((BATCH, DIM), jnp.float32),
    mesh=_mesh,
    scratch_types=[
        [pltpu.VMEM((_RC,), jnp.int32) for _ in range(FIELDS)],
        [pltpu.VMEM((_RC, DIM), jnp.float32) for _ in range(FIELDS)],
        pltpu.SemaphoreType.DMA,
    ],
    compiler_params=_params,
)
def _embed_sum(l0, l1, l2, l3, t0, t1, t2, t3, out, idx_v, rows_v, sem):
    wid = lax.axis_index("s") * _NC + lax.axis_index("c")
    base = wid * _R
    labels = [l0, l1, l2, l3]
    tables = [t0, t1, t2, t3]

    for c in range(_NCH):
        row0 = base + c * _RC
        for f in range(FIELDS):
            pltpu.sync_copy(labels[f].at[pl.ds(row0, _RC)], idx_v[f])
            if tables[f].shape[0] != VOCABP1:
                _permute_indices(idx_v[f])
        descs = [
            pltpu.async_copy(tables[f].at[idx_v[f]], rows_v[f], sem)
            for f in range(FIELDS)
        ]
        for d in descs:
            d.wait()

        def body(r, carry):
            for cg in range(_CG):
                sl = pl.ds(cg * LANES, LANES)
                acc = (rows_v[0][r, sl] + rows_v[1][r, sl]
                       + rows_v[2][r, sl] + rows_v[3][r, sl])
                rows_v[0][r, sl] = acc
            return carry

        lax.fori_loop(0, _RC, body, 0)
        pltpu.sync_copy(rows_v[0], out.at[pl.ds(row0, _RC)])


def kernel(labels_f0, labels_f1, labels_f2, labels_f3,
           table_f0, table_f1, table_f2, table_f3):
    labels = [labels_f0, labels_f1, labels_f2, labels_f3]
    tables = [table_f0, table_f1, table_f2, table_f3]
    lins = [_transpose_flat(t.T).reshape(2 * _LINROWS, DIM) for t in tables]
    return _embed_sum(*labels, *lins)

# --- scband reference (transcript-rebuilt; emitter-appended) ---
"""Pipeline reference for scband-combined-embedder-20899310862453 (READ-ONLY COPY).

The authoritative reference and input builder live on the scoring server;
editing this copy changes nothing except your own understanding.
"""

import jax, jax.numpy as jnp
import numpy as np

BATCH = 16384
VOCAB = 100000
DIM = 64
FIELDS = 4

def setup_inputs(seed: int = 0) -> dict:
    key = jax.random.key(seed)
    ks = jax.random.split(key, 2 * FIELDS)
    inp = {}
    for i in range(FIELDS):
        inp[f"labels_f{i}"] = jax.random.randint(ks[i], (BATCH,), 0, VOCAB, dtype=jnp.int32)
    # Embedding tables: num_embedding + 1 null row (dropout > 0 adds a null embedding).
    for i in range(FIELDS):
        inp[f"table_f{i}"] = jax.random.normal(ks[FIELDS + i], (VOCAB + 1, DIM), dtype=jnp.float32) * 0.02
    return inp

def reference(labels_f0, labels_f1, labels_f2, labels_f3,
              table_f0, table_f1, table_f2, table_f3):
    # CombinedEmbedder.forward in eval mode (training=False, force_drop_ids=None):
    # token_drop is identity (drop_ids all False), quantize=False, so each
    # IntegerEmbedder is a plain table lookup; results are summed across fields.
    labels = [labels_f0, labels_f1, labels_f2, labels_f3]
    tables = [table_f0, table_f1, table_f2, table_f3]
    out = jnp.zeros((BATCH, DIM), dtype=jnp.float32)
    for lab, tab in zip(labels, tables):
        out = out + jnp.take(tab, lab, axis=0)
    return out

if __name__ == "__main__":
    import jax
    _d = setup_inputs()
    print(jax.jit(kernel)(*tuple(_d.values())))

</pallas_src>

<mosaic_0001>
#map = affine_map<(d0, d1) -> (0)>
#map1 = affine_map<(d0, d1) -> (0, 0)>
module attributes {stable_mosaic.version = 14 : i64} {
  func.func @_embed_sum(%arg0: i32, %arg1: i32, %arg2: memref<16384xi32, #tpu.memory_space<hbm>>, %arg3: memref<16384xi32, #tpu.memory_space<hbm>>, %arg4: memref<16384xi32, #tpu.memory_space<hbm>>, %arg5: memref<16384xi32, #tpu.memory_space<hbm>>, %arg6: memref<114688x64xf32, #tpu.memory_space<hbm>>, %arg7: memref<114688x64xf32, #tpu.memory_space<hbm>>, %arg8: memref<114688x64xf32, #tpu.memory_space<hbm>>, %arg9: memref<114688x64xf32, #tpu.memory_space<hbm>>, %arg10: memref<16384x64xf32, #tpu.memory_space<hbm>>, %arg11: memref<256xi32, #tpu.memory_space<vmem>>, %arg12: memref<256xi32, #tpu.memory_space<vmem>>, %arg13: memref<256xi32, #tpu.memory_space<vmem>>, %arg14: memref<256xi32, #tpu.memory_space<vmem>>, %arg15: memref<256x64xf32, #tpu.memory_space<vmem>>, %arg16: memref<256x64xf32, #tpu.memory_space<vmem>>, %arg17: memref<256x64xf32, #tpu.memory_space<vmem>>, %arg18: memref<256x64xf32, #tpu.memory_space<vmem>>, %arg19: memref<!tpu.dma_semaphore, #tpu.memory_space<semaphore_mem>>) attributes {dimension_semantics = [#tpu.dimension_semantics<core_parallel>, #tpu.dimension_semantics<subcore_parallel>], iteration_bounds = array<i64: 2, 16>, scalar_prefetch = 0 : i64, scratch_operands = 9 : i64, tpu.core_type = #tpu.core_type<sc_vector_subcore>, window_params = [{transform_indices = #map}, {transform_indices = #map}, {transform_indices = #map}, {transform_indices = #map}, {transform_indices = #map1}, {transform_indices = #map1}, {transform_indices = #map1}, {transform_indices = #map1}, {transform_indices = #map1}]} {
    %mul3A = arith.constant 2 : i32
    %mul3A_0 = arith.muli %arg1, %mul3A : i32
    %add3A = arith.addi %mul3A_0, %arg0 : i32
    %mul3A_1 = arith.constant 512 : i32
    %mul3A_2 = arith.muli %add3A, %mul3A_1 : i32
    %add3A_3 = arith.constant 0 : i32
    %add3A_4 = arith.addi %mul3A_2, %add3A_3 : i32
    "tpu.region"() ({
      %run_scoped3A = tpu.sem_alloc : memref<!tpu.dma_semaphore, #tpu.memory_space<semaphore_mem>>
      %dma_start3A_112 = tpu.memref_slice %arg2[%add3A_4] : memref<16384xi32, #tpu.memory_space<hbm>> -> memref<256xi32, #tpu.memory_space<hbm>>
      %dma_start3A_113 = tpu.memref_slice %arg2[%add3A_4] : memref<16384xi32, #tpu.memory_space<hbm>> -> memref<256xi32, #tpu.memory_space<hbm>>
      tpu.enqueue_dma source(%dma_start3A_113 : memref<256xi32, #tpu.memory_space<hbm>>) target(%arg11 : memref<256xi32, #tpu.memory_space<vmem>>) target_semaphore(%run_scoped3A : memref<!tpu.dma_semaphore, #tpu.memory_space<semaphore_mem>>)
      %dma_wait3A_114 = tpu.memref_slice %arg2[%add3A_4] : memref<16384xi32, #tpu.memory_space<hbm>> -> memref<256xi32, #tpu.memory_space<hbm>>
      %dma_wait3A_115 = tpu.memref_slice %arg2[%add3A_4] : memref<16384xi32, #tpu.memory_space<hbm>> -> memref<256xi32, #tpu.memory_space<hbm>>
      tpu.wait_dma2 semaphore(%run_scoped3A : memref<!tpu.dma_semaphore, #tpu.memory_space<semaphore_mem>>) src(%dma_wait3A_115 : memref<256xi32, #tpu.memory_space<hbm>>) dst(%arg11 : memref<256xi32, #tpu.memory_space<vmem>>)
      tpu.yield
    }) : () -> ()
    %scan3A = arith.constant 0 : i32
    %scan3A_5 = arith.constant 0 : i32
    %scan3A_6 = arith.constant 16 : i32
    %scan3A_7 = arith.addi %scan3A_5, %scan3A_6 : i32
    %scan3A_8 = arith.constant 1 : i32
    scf.for %scan3A_112 = %scan3A_5 to %scan3A_7 step %scan3A_8  : i32 {
      %mul3A_113 = arith.constant 16 : i32
      %mul3A_114 = arith.muli %scan3A_112, %mul3A_113 : i32
      %get3A = arith.index_cast %mul3A_114 : i32 to index
      %get3A_115 = tpu.vector_load %arg11[%get3A] {strides = array<i32>} : memref<256xi32, #tpu.memory_space<vmem>>, vector<16xi32>,
      %get3A_116 = vector.shape_cast %get3A_115 : vector<16xi32> to vector<16xi32>
      %and3A = arith.constant 16383 : i32
      %and3A_117 = vector.broadcast %and3A : i32 to vector<16xi32>
      %and3A_118 = arith.andi %get3A_116, %and3A_117 : vector<16xi32>
      %add3A_119 = arith.addi %and3A_118, %and3A_118 : vector<16xi32>
      %sub3A = arith.subi %get3A_116, %and3A_118 : vector<16xi32>
      %lt3A = arith.constant 8192 : i32
      %lt3A_120 = vector.broadcast %lt3A : i32 to vector<16xi32>
      %lt3A_121 = arith.cmpi slt, %and3A_118, %lt3A_120 : vector<16xi32>
      %sub3A_122 = arith.constant 16383 : i32
      %sub3A_123 = vector.broadcast %sub3A_122 : i32 to vector<16xi32>
      %sub3A_124 = arith.subi %add3A_119, %sub3A_123 : vector<16xi32>
      %select_n3A = arith.select %lt3A_121, %add3A_119, %sub3A_124 : vector<16xi1>, vector<16xi32>
      %add3A_125 = arith.addi %sub3A, %select_n3A : vector<16xi32>
      %mul3A_126 = arith.constant 16 : i32
      %mul3A_127 = arith.muli %scan3A_112, %mul3A_126 : i32
      %swap3A = arith.index_cast %mul3A_127 : i32 to index
      %swap3A_128 = tpu.vector_load %arg11[%swap3A] {strides = array<i32>} : memref<256xi32, #tpu.memory_space<vmem>>, vector<16xi32>,
      %swap3A_129 = vector.shape_cast %swap3A_128 : vector<16xi32> to vector<16xi32>
      %swap3A_130 = vector.shape_cast %add3A_125 : vector<16xi32> to vector<16xi32>
      tpu.vector_store %arg11[%swap3A], %swap3A_130 {strides = array<i32>} : memref<256xi32, #tpu.memory_space<vmem>>, vector<16xi32>,
    }
    %scan3A_9 = arith.constant 16 : i32
    "tpu.region"() ({
      %run_scoped3A = tpu.sem_alloc : memref<!tpu.dma_semaphore, #tpu.memory_space<semaphore_mem>>
      %dma_start3A_112 = tpu.memref_slice %arg3[%add3A_4] : memref<16384xi32, #tpu.memory_space<hbm>> -> memref<256xi32, #tpu.memory_space<hbm>>
      %dma_start3A_113 = tpu.memref_slice %arg3[%add3A_4] : memref<16384xi32, #tpu.memory_space<hbm>> -> memref<256xi32, #tpu.memory_space<hbm>>
      tpu.enqueue_dma source(%dma_start3A_113 : memref<256xi32, #tpu.memory_space<hbm>>) target(%arg12 : memref<256xi32, #tpu.memory_space<vmem>>) target_semaphore(%run_scoped3A : memref<!tpu.dma_semaphore, #tpu.memory_space<semaphore_mem>>)
      %dma_wait3A_114 = tpu.memref_slice %arg3[%add3A_4] : memref<16384xi32, #tpu.memory_space<hbm>> -> memref<256xi32, #tpu.memory_space<hbm>>
      %dma_wait3A_115 = tpu.memref_slice %arg3[%add3A_4] : memref<16384xi32, #tpu.memory_space<hbm>> -> memref<256xi32, #tpu.memory_space<hbm>>
      tpu.wait_dma2 semaphore(%run_scoped3A : memref<!tpu.dma_semaphore, #tpu.memory_space<semaphore_mem>>) src(%dma_wait3A_115 : memref<256xi32, #tpu.memory_space<hbm>>) dst(%arg12 : memref<256xi32, #tpu.memory_space<vmem>>)
      tpu.yield
    }) : () -> ()
    %scan3A_10 = arith.constant 0 : i32
    %scan3A_11 = arith.constant 0 : i32
    %scan3A_12 = arith.constant 16 : i32
    %scan3A_13 = arith.addi %scan3A_11, %scan3A_12 : i32
    %scan3A_14 = arith.constant 1 : i32
    scf.for %scan3A_112 = %scan3A_11 to %scan3A_13 step %scan3A_14  : i32 {
      %mul3A_113 = arith.constant 16 : i32
      %mul3A_114 = arith.muli %scan3A_112, %mul3A_113 : i32
      %get3A = arith.index_cast %mul3A_114 : i32 to index
      %get3A_115 = tpu.vector_load %arg12[%get3A] {strides = array<i32>} : memref<256xi32, #tpu.memory_space<vmem>>, vector<16xi32>,
      %get3A_116 = vector.shape_cast %get3A_115 : vector<16xi32> to vector<16xi32>
      %and3A = arith.constant 16383 : i32
      %and3A_117 = vector.broadcast %and3A : i32 to vector<16xi32>
      %and3A_118 = arith.andi %get3A_116, %and3A_117 : vector<16xi32>
      %add3A_119 = arith.addi %and3A_118, %and3A_118 : vector<16xi32>
      %sub3A = arith.subi %get3A_116, %and3A_118 : vector<16xi32>
      %lt3A = arith.constant 8192 : i32
      %lt3A_120 = vector.broadcast %lt3A : i32 to vector<16xi32>
      %lt3A_121 = arith.cmpi slt, %and3A_118, %lt3A_120 : vector<16xi32>
      %sub3A_122 = arith.constant 16383 : i32
      %sub3A_123 = vector.broadcast %sub3A_122 : i32 to vector<16xi32>
      %sub3A_124 = arith.subi %add3A_119, %sub3A_123 : vector<16xi32>
      %select_n3A = arith.select %lt3A_121, %add3A_119, %sub3A_124 : vector<16xi1>, vector<16xi32>
      %add3A_125 = arith.addi %sub3A, %select_n3A : vector<16xi32>
      %mul3A_126 = arith.constant 16 : i32
      %mul3A_127 = arith.muli %scan3A_112, %mul3A_126 : i32
      %swap3A = arith.index_cast %mul3A_127 : i32 to index
      %swap3A_128 = tpu.vector_load %arg12[%swap3A] {strides = array<i32>} : memref<256xi32, #tpu.memory_space<vmem>>, vector<16xi32>,
      %swap3A_129 = vector.shape_cast %swap3A_128 : vector<16xi32> to vector<16xi32>
      %swap3A_130 = vector.shape_cast %add3A_125 : vector<16xi32> to vector<16xi32>
      tpu.vector_store %arg12[%swap3A], %swap3A_130 {strides = array<i32>} : memref<256xi32, #tpu.memory_space<vmem>>, vector<16xi32>,
    }
    %scan3A_15 = arith.constant 16 : i32
    "tpu.region"() ({
      %run_scoped3A = tpu.sem_alloc : memref<!tpu.dma_semaphore, #tpu.memory_space<semaphore_mem>>
      %dma_start3A_112 = tpu.memref_slice %arg4[%add3A_4] : memref<16384xi32, #tpu.memory_space<hbm>> -> memref<256xi32, #tpu.memory_space<hbm>>
      %dma_start3A_113 = tpu.memref_slice %arg4[%add3A_4] : memref<16384xi32, #tpu.memory_space<hbm>> -> memref<256xi32, #tpu.memory_space<hbm>>
      tpu.enqueue_dma source(%dma_start3A_113 : memref<256xi32, #tpu.memory_space<hbm>>) target(%arg13 : memref<256xi32, #tpu.memory_space<vmem>>) target_semaphore(%run_scoped3A : memref<!tpu.dma_semaphore, #tpu.memory_space<semaphore_mem>>)
      %dma_wait3A_114 = tpu.memref_slice %arg4[%add3A_4] : memref<16384xi32, #tpu.memory_space<hbm>> -> memref<256xi32, #tpu.memory_space<hbm>>
      %dma_wait3A_115 = tpu.memref_slice %arg4[%add3A_4] : memref<16384xi32, #tpu.memory_space<hbm>> -> memref<256xi32, #tpu.memory_space<hbm>>
      tpu.wait_dma2 semaphore(%run_scoped3A : memref<!tpu.dma_semaphore, #tpu.memory_space<semaphore_mem>>) src(%dma_wait3A_115 : memref<256xi32, #tpu.memory_space<hbm>>) dst(%arg13 : memref<256xi32, #tpu.memory_space<vmem>>)
      tpu.yield
    }) : () -> ()
    %scan3A_16 = arith.constant 0 : i32
    %scan3A_17 = arith.constant 0 : i32
    %scan3A_18 = arith.constant 16 : i32
    %scan3A_19 = arith.addi %scan3A_17, %scan3A_18 : i32
    %scan3A_20 = arith.constant 1 : i32
    scf.for %scan3A_112 = %scan3A_17 to %scan3A_19 step %scan3A_20  : i32 {
      %mul3A_113 = arith.constant 16 : i32
      %mul3A_114 = arith.muli %scan3A_112, %mul3A_113 : i32
      %get3A = arith.index_cast %mul3A_114 : i32 to index
      %get3A_115 = tpu.vector_load %arg13[%get3A] {strides = array<i32>} : memref<256xi32, #tpu.memory_space<vmem>>, vector<16xi32>,
      %get3A_116 = vector.shape_cast %get3A_115 : vector<16xi32> to vector<16xi32>
      %and3A = arith.constant 16383 : i32
      %and3A_117 = vector.broadcast %and3A : i32 to vector<16xi32>
      %and3A_118 = arith.andi %get3A_116, %and3A_117 : vector<16xi32>
      %add3A_119 = arith.addi %and3A_118, %and3A_118 : vector<16xi32>
      %sub3A = arith.subi %get3A_116, %and3A_118 : vector<16xi32>
      %lt3A = arith.constant 8192 : i32
      %lt3A_120 = vector.broadcast %lt3A : i32 to vector<16xi32>
      %lt3A_121 = arith.cmpi slt, %and3A_118, %lt3A_120 : vector<16xi32>
      %sub3A_122 = arith.constant 16383 : i32
      %sub3A_123 = vector.broadcast %sub3A_122 : i32 to vector<16xi32>
      %sub3A_124 = arith.subi %add3A_119, %sub3A_123 : vector<16xi32>
      %select_n3A = arith.select %lt3A_121, %add3A_119, %sub3A_124 : vector<16xi1>, vector<16xi32>
      %add3A_125 = arith.addi %sub3A, %select_n3A : vector<16xi32>
      %mul3A_126 = arith.constant 16 : i32
      %mul3A_127 = arith.muli %scan3A_112, %mul3A_126 : i32
      %swap3A = arith.index_cast %mul3A_127 : i32 to index
      %swap3A_128 = tpu.vector_load %arg13[%swap3A] {strides = array<i32>} : memref<256xi32, #tpu.memory_space<vmem>>, vector<16xi32>,
      %swap3A_129 = vector.shape_cast %swap3A_128 : vector<16xi32> to vector<16xi32>
      %swap3A_130 = vector.shape_cast %add3A_125 : vector<16xi32> to vector<16xi32>
      tpu.vector_store %arg13[%swap3A], %swap3A_130 {strides = array<i32>} : memref<256xi32, #tpu.memory_space<vmem>>, vector<16xi32>,
    }
    %scan3A_21 = arith.constant 16 : i32
    "tpu.region"() ({
      %run_scoped3A = tpu.sem_alloc : memref<!tpu.dma_semaphore, #tpu.memory_space<semaphore_mem>>
      %dma_start3A_112 = tpu.memref_slice %arg5[%add3A_4] : memref<16384xi32, #tpu.memory_space<hbm>> -> memref<256xi32, #tpu.memory_space<hbm>>
      %dma_start3A_113 = tpu.memref_slice %arg5[%add3A_4] : memref<16384xi32, #tpu.memory_space<hbm>> -> memref<256xi32, #tpu.memory_space<hbm>>
      tpu.enqueue_dma source(%dma_start3A_113 : memref<256xi32, #tpu.memory_space<hbm>>) target(%arg14 : memref<256xi32, #tpu.memory_space<vmem>>) target_semaphore(%run_scoped3A : memref<!tpu.dma_semaphore, #tpu.memory_space<semaphore_mem>>)
      %dma_wait3A_114 = tpu.memref_slice %arg5[%add3A_4] : memref<16384xi32, #tpu.memory_space<hbm>> -> memref<256xi32, #tpu.memory_space<hbm>>
      %dma_wait3A_115 = tpu.memref_slice %arg5[%add3A_4] : memref<16384xi32, #tpu.memory_space<hbm>> -> memref<256xi32, #tpu.memory_space<hbm>>
      tpu.wait_dma2 semaphore(%run_scoped3A : memref<!tpu.dma_semaphore, #tpu.memory_space<semaphore_mem>>) src(%dma_wait3A_115 : memref<256xi32, #tpu.memory_space<hbm>>) dst(%arg14 : memref<256xi32, #tpu.memory_space<vmem>>)
      tpu.yield
    }) : () -> ()
    %scan3A_22 = arith.constant 0 : i32
    %scan3A_23 = arith.constant 0 : i32
    %scan3A_24 = arith.constant 16 : i32
    %scan3A_25 = arith.addi %scan3A_23, %scan3A_24 : i32
    %scan3A_26 = arith.constant 1 : i32
    scf.for %scan3A_112 = %scan3A_23 to %scan3A_25 step %scan3A_26  : i32 {
      %mul3A_113 = arith.constant 16 : i32
      %mul3A_114 = arith.muli %scan3A_112, %mul3A_113 : i32
      %get3A = arith.index_cast %mul3A_114 : i32 to index
      %get3A_115 = tpu.vector_load %arg14[%get3A] {strides = array<i32>} : memref<256xi32, #tpu.memory_space<vmem>>, vector<16xi32>,
      %get3A_116 = vector.shape_cast %get3A_115 : vector<16xi32> to vector<16xi32>
      %and3A = arith.constant 16383 : i32
      %and3A_117 = vector.broadcast %and3A : i32 to vector<16xi32>
      %and3A_118 = arith.andi %get3A_116, %and3A_117 : vector<16xi32>
      %add3A_119 = arith.addi %and3A_118, %and3A_118 : vector<16xi32>
      %sub3A = arith.subi %get3A_116, %and3A_118 : vector<16xi32>
      %lt3A = arith.constant 8192 : i32
      %lt3A_120 = vector.broadcast %lt3A : i32 to vector<16xi32>
      %lt3A_121 = arith.cmpi slt, %and3A_118, %lt3A_120 : vector<16xi32>
      %sub3A_122 = arith.constant 16383 : i32
      %sub3A_123 = vector.broadcast %sub3A_122 : i32 to vector<16xi32>
      %sub3A_124 = arith.subi %add3A_119, %sub3A_123 : vector<16xi32>
      %select_n3A = arith.select %lt3A_121, %add3A_119, %sub3A_124 : vector<16xi1>, vector<16xi32>
      %add3A_125 = arith.addi %sub3A, %select_n3A : vector<16xi32>
      %mul3A_126 = arith.constant 16 : i32
      %mul3A_127 = arith.muli %scan3A_112, %mul3A_126 : i32
      %swap3A = arith.index_cast %mul3A_127 : i32 to index
      %swap3A_128 = tpu.vector_load %arg14[%swap3A] {strides = array<i32>} : memref<256xi32, #tpu.memory_space<vmem>>, vector<16xi32>,
      %swap3A_129 = vector.shape_cast %swap3A_128 : vector<16xi32> to vector<16xi32>
      %swap3A_130 = vector.shape_cast %add3A_125 : vector<16xi32> to vector<16xi32>
      tpu.vector_store %arg14[%swap3A], %swap3A_130 {strides = array<i32>} : memref<256xi32, #tpu.memory_space<vmem>>, vector<16xi32>,
    }
    %scan3A_27 = arith.constant 16 : i32
    %dma_start3A = arith.constant 0 : i32
    %dma_start3A_28 = arith.constant 0 : i32
    %dma_start3A_29 = tpu.memref_slice %arg6[%dma_start3A, %dma_start3A_28] : memref<114688x64xf32, #tpu.memory_space<hbm>> -> memref<114688x64xf32, #tpu.memory_space<hbm>>
    tpu.enqueue_indirect_dma source(%dma_start3A_29 : memref<114688x64xf32, #tpu.memory_space<hbm>>) target(%arg15 : memref<256x64xf32, #tpu.memory_space<vmem>>) offsets(%arg11 : memref<256xi32, #tpu.memory_space<vmem>>) semaphore(%arg19 : memref<!tpu.dma_semaphore, #tpu.memory_space<semaphore_mem>>)
    %dma_start3A_30 = arith.constant 0 : i32
    %dma_start3A_31 = arith.constant 0 : i32
    %dma_start3A_32 = tpu.memref_slice %arg7[%dma_start3A_30, %dma_start3A_31] : memref<114688x64xf32, #tpu.memory_space<hbm>> -> memref<114688x64xf32, #tpu.memory_space<hbm>>
    tpu.enqueue_indirect_dma source(%dma_start3A_32 : memref<114688x64xf32, #tpu.memory_space<hbm>>) target(%arg16 : memref<256x64xf32, #tpu.memory_space<vmem>>) offsets(%arg12 : memref<256xi32, #tpu.memory_space<vmem>>) semaphore(%arg19 : memref<!tpu.dma_semaphore, #tpu.memory_space<semaphore_mem>>)
    %dma_start3A_33 = arith.constant 0 : i32
    %dma_start3A_34 = arith.constant 0 : i32
    %dma_start3A_35 = tpu.memref_slice %arg8[%dma_start3A_33, %dma_start3A_34] : memref<114688x64xf32, #tpu.memory_space<hbm>> -> memref<114688x64xf32, #tpu.memory_space<hbm>>
    tpu.enqueue_indirect_dma source(%dma_start3A_35 : memref<114688x64xf32, #tpu.memory_space<hbm>>) target(%arg17 : memref<256x64xf32, #tpu.memory_space<vmem>>) offsets(%arg13 : memref<256xi32, #tpu.memory_space<vmem>>) semaphore(%arg19 : memref<!tpu.dma_semaphore, #tpu.memory_space<semaphore_mem>>)
    %dma_start3A_36 = arith.constant 0 : i32
    %dma_start3A_37 = arith.constant 0 : i32
    %dma_start3A_38 = tpu.memref_slice %arg9[%dma_start3A_36, %dma_start3A_37] : memref<114688x64xf32, #tpu.memory_space<hbm>> -> memref<114688x64xf32, #tpu.memory_space<hbm>>
    tpu.enqueue_indirect_dma source(%dma_start3A_38 : memref<114688x64xf32, #tpu.memory_space<hbm>>) target(%arg18 : memref<256x64xf32, #tpu.memory_space<vmem>>) offsets(%arg14 : memref<256xi32, #tpu.memory_space<vmem>>) semaphore(%arg19 : memref<!tpu.dma_semaphore, #tpu.memory_space<semaphore_mem>>)
    %dma_wait3A = arith.constant 0 : i32
    %dma_wait3A_39 = arith.constant 0 : i32
    %dma_wait3A_40 = tpu.memref_slice %arg6[%dma_wait3A, %dma_wait3A_39] : memref<114688x64xf32, #tpu.memory_space<hbm>> -> memref<114688x64xf32, #tpu.memory_space<hbm>>
    tpu.wait_indirect_dma semaphore(%arg19 : memref<!tpu.dma_semaphore, #tpu.memory_space<semaphore_mem>>) src(%dma_wait3A_40 : memref<114688x64xf32, #tpu.memory_space<hbm>>) dst(%arg15 : memref<256x64xf32, #tpu.memory_space<vmem>>)
    %dma_wait3A_41 = arith.constant 0 : i32
    %dma_wait3A_42 = arith.constant 0 : i32
    %dma_wait3A_43 = tpu.memref_slice %arg7[%dma_wait3A_41, %dma_wait3A_42] : memref<114688x64xf32, #tpu.memory_space<hbm>> -> memref<114688x64xf32, #tpu.memory_space<hbm>>
    tpu.wait_indirect_dma semaphore(%arg19 : memref<!tpu.dma_semaphore, #tpu.memory_space<semaphore_mem>>) src(%dma_wait3A_43 : memref<114688x64xf32, #tpu.memory_space<hbm>>) dst(%arg16 : memref<256x64xf32, #tpu.memory_space<vmem>>)
    %dma_wait3A_44 = arith.constant 0 : i32
    %dma_wait3A_45 = arith.constant 0 : i32
    %dma_wait3A_46 = tpu.memref_slice %arg8[%dma_wait3A_44, %dma_wait3A_45] : memref<114688x64xf32, #tpu.memory_space<hbm>> -> memref<114688x64xf32, #tpu.memory_space<hbm>>
    tpu.wait_indirect_dma semaphore(%arg19 : memref<!tpu.dma_semaphore, #tpu.memory_space<semaphore_mem>>) src(%dma_wait3A_46 : memref<114688x64xf32, #tpu.memory_space<hbm>>) dst(%arg17 : memref<256x64xf32, #tpu.memory_space<vmem>>)
    %dma_wait3A_47 = arith.constant 0 : i32
    %dma_wait3A_48 = arith.constant 0 : i32
    %dma_wait3A_49 = tpu.memref_slice %arg9[%dma_wait3A_47, %dma_wait3A_48] : memref<114688x64xf32, #tpu.memory_space<hbm>> -> memref<114688x64xf32, #tpu.memory_space<hbm>>
    tpu.wait_indirect_dma semaphore(%arg19 : memref<!tpu.dma_semaphore, #tpu.memory_space<semaphore_mem>>) src(%dma_wait3A_49 : memref<114688x64xf32, #tpu.memory_space<hbm>>) dst(%arg18 : memref<256x64xf32, #tpu.memory_space<vmem>>)
    %scan3A_50 = arith.constant 0 : i32
    %scan3A_51 = arith.constant 0 : i32
    %scan3A_52 = arith.constant 256 : i32
    %scan3A_53 = arith.addi %scan3A_51, %scan3A_52 : i32
    %scan3A_54 = arith.constant 1 : i32
    scf.for %scan3A_112 = %scan3A_51 to %scan3A_53 step %scan3A_54  : i32 {
      %get3A = arith.index_cast %scan3A_112 : i32 to index
      %get3A_113 = arith.constant 0 : index
      %get3A_114 = tpu.vector_load %arg15[%get3A, %get3A_113] {strides = array<i32>} : memref<256x64xf32, #tpu.memory_space<vmem>>, vector<1x16xf32>,
      %get3A_115 = vector.shape_cast %get3A_114 : vector<1x16xf32> to vector<16xf32>
      %get3A_116 = arith.index_cast %scan3A_112 : i32 to index
      %get3A_117 = arith.constant 0 : index
      %get3A_118 = tpu.vector_load %arg16[%get3A_116, %get3A_117] {strides = array<i32>} : memref<256x64xf32, #tpu.memory_space<vmem>>, vector<1x16xf32>,
      %get3A_119 = vector.shape_cast %get3A_118 : vector<1x16xf32> to vector<16xf32>
      %add3A_120 = arith.addf %get3A_115, %get3A_119 : vector<16xf32>
      %get3A_121 = arith.index_cast %scan3A_112 : i32 to index
      %get3A_122 = arith.constant 0 : index
      %get3A_123 = tpu.vector_load %arg17[%get3A_121, %get3A_122] {strides = array<i32>} : memref<256x64xf32, #tpu.memory_space<vmem>>, vector<1x16xf32>,
      %get3A_124 = vector.shape_cast %get3A_123 : vector<1x16xf32> to vector<16xf32>
      %add3A_125 = arith.addf %add3A_120, %get3A_124 : vector<16xf32>
      %get3A_126 = arith.index_cast %scan3A_112 : i32 to index
      %get3A_127 = arith.constant 0 : index
      %get3A_128 = tpu.vector_load %arg18[%get3A_126, %get3A_127] {strides = array<i32>} : memref<256x64xf32, #tpu.memory_space<vmem>>, vector<1x16xf32>,
      %get3A_129 = vector.shape_cast %get3A_128 : vector<1x16xf32> to vector<16xf32>
      %add3A_130 = arith.addf %add3A_125, %get3A_129 : vector<16xf32>
      %swap3A = arith.index_cast %scan3A_112 : i32 to index
      %swap3A_131 = arith.constant 0 : index
      %swap3A_132 = tpu.vector_load %arg15[%swap3A, %swap3A_131] {strides = array<i32>} : memref<256x64xf32, #tpu.memory_space<vmem>>, vector<1x16xf32>,
      %swap3A_133 = vector.shape_cast %swap3A_132 : vector<1x16xf32> to vector<16xf32>
      %swap3A_134 = vector.shape_cast %add3A_130 : vector<16xf32> to vector<1x16xf32>
      tpu.vector_store %arg15[%swap3A, %swap3A_131], %swap3A_134 {strides = array<i32>} : memref<256x64xf32, #tpu.memory_space<vmem>>, vector<1x16xf32>,
      %get3A_135 = arith.index_cast %scan3A_112 : i32 to index
      %get3A_136 = arith.constant 16 : index
      %get3A_137 = tpu.vector_load %arg15[%get3A_135, %get3A_136] {strides = array<i32>} : memref<256x64xf32, #tpu.memory_space<vmem>>, vector<1x16xf32>,
      %get3A_138 = vector.shape_cast %get3A_137 : vector<1x16xf32> to vector<16xf32>
      %get3A_139 = arith.index_cast %scan3A_112 : i32 to index
      %get3A_140 = arith.constant 16 : index
      %get3A_141 = tpu.vector_load %arg16[%get3A_139, %get3A_140] {strides = array<i32>} : memref<256x64xf32, #tpu.memory_space<vmem>>, vector<1x16xf32>,
      %get3A_142 = vector.shape_cast %get3A_141 : vector<1x16xf32> to vector<16xf32>
      %add3A_143 = arith.addf %get3A_138, %get3A_142 : vector<16xf32>
      %get3A_144 = arith.index_cast %scan3A_112 : i32 to index
      %get3A_145 = arith.constant 16 : index
      %get3A_146 = tpu.vector_load %arg17[%get3A_144, %get3A_145] {strides = array<i32>} : memref<256x64xf32, #tpu.memory_space<vmem>>, vector<1x16xf32>,
      %get3A_147 = vector.shape_cast %get3A_146 : vector<1x16xf32> to vector<16xf32>
      %add3A_148 = arith.addf %add3A_143, %get3A_147 : vector<16xf32>
      %get3A_149 = arith.index_cast %scan3A_112 : i32 to index
      %get3A_150 = arith.constant 16 : index
      %get3A_151 = tpu.vector_load %arg18[%get3A_149, %get3A_150] {strides = array<i32>} : memref<256x64xf32, #tpu.memory_space<vmem>>, vector<1x16xf32>,
      %get3A_152 = vector.shape_cast %get3A_151 : vector<1x16xf32> to vector<16xf32>
      %add3A_153 = arith.addf %add3A_148, %get3A_152 : vector<16xf32>
      %swap3A_154 = arith.index_cast %scan3A_112 : i32 to index
      %swap3A_155 = arith.constant 16 : index
      %swap3A_156 = tpu.vector_load %arg15[%swap3A_154, %swap3A_155] {strides = array<i32>} : memref<256x64xf32, #tpu.memory_space<vmem>>, vector<1x16xf32>,
      %swap3A_157 = vector.shape_cast %swap3A_156 : vector<1x16xf32> to vector<16xf32>
      %swap3A_158 = vector.shape_cast %add3A_153 : vector<16xf32> to vector<1x16xf32>
      tpu.vector_store %arg15[%swap3A_154, %swap3A_155], %swap3A_158 {strides = array<i32>} : memref<256x64xf32, #tpu.memory_space<vmem>>, vector<1x16xf32>,
      %get3A_159 = arith.index_cast %scan3A_112 : i32 to index
      %get3A_160 = arith.constant 32 : index
      %get3A_161 = tpu.vector_load %arg15[%get3A_159, %get3A_160] {strides = array<i32>} : memref<256x64xf32, #tpu.memory_space<vmem>>, vector<1x16xf32>,
      %get3A_162 = vector.shape_cast %get3A_161 : vector<1x16xf32> to vector<16xf32>
      %get3A_163 = arith.index_cast %scan3A_112 : i32 to index
      %get3A_164 = arith.constant 32 : index
      %get3A_165 = tpu.vector_load %arg16[%get3A_163, %get3A_164] {strides = array<i32>} : memref<256x64xf32, #tpu.memory_space<vmem>>, vector<1x16xf32>,
      %get3A_166 = vector.shape_cast %get3A_165 : vector<1x16xf32> to vector<16xf32>
      %add3A_167 = arith.addf %get3A_162, %get3A_166 : vector<16xf32>
      %get3A_168 = arith.index_cast %scan3A_112 : i32 to index
      %get3A_169 = arith.constant 32 : index
      %get3A_170 = tpu.vector_load %arg17[%get3A_168, %get3A_169] {strides = array<i32>} : memref<256x64xf32, #tpu.memory_space<vmem>>, vector<1x16xf32>,
      %get3A_171 = vector.shape_cast %get3A_170 : vector<1x16xf32> to vector<16xf32>
      %add3A_172 = arith.addf %add3A_167, %get3A_171 : vector<16xf32>
      %get3A_173 = arith.index_cast %scan3A_112 : i32 to index
      %get3A_174 = arith.constant 32 : index
      %get3A_175 = tpu.vector_load %arg18[%get3A_173, %get3A_174] {strides = array<i32>} : memref<256x64xf32, #tpu.memory_space<vmem>>, vector<1x16xf32>,
      %get3A_176 = vector.shape_cast %get3A_175 : vector<1x16xf32> to vector<16xf32>
      %add3A_177 = arith.addf %add3A_172, %get3A_176 : vector<16xf32>
      %swap3A_178 = arith.index_cast %scan3A_112 : i32 to index
      %swap3A_179 = arith.constant 32 : index
      %swap3A_180 = tpu.vector_load %arg15[%swap3A_178, %swap3A_179] {strides = array<i32>} : memref<256x64xf32, #tpu.memory_space<vmem>>, vector<1x16xf32>,
      %swap3A_181 = vector.shape_cast %swap3A_180 : vector<1x16xf32> to vector<16xf32>
      %swap3A_182 = vector.shape_cast %add3A_177 : vector<16xf32> to vector<1x16xf32>
      tpu.vector_store %arg15[%swap3A_178, %swap3A_179], %swap3A_182 {strides = array<i32>} : memref<256x64xf32, #tpu.memory_space<vmem>>, vector<1x16xf32>,
      %get3A_183 = arith.index_cast %scan3A_112 : i32 to index
      %get3A_184 = arith.constant 48 : index
      %get3A_185 = tpu.vector_load %arg15[%get3A_183, %get3A_184] {strides = array<i32>} : memref<256x64xf32, #tpu.memory_space<vmem>>, vector<1x16xf32>,
      %get3A_186 = vector.shape_cast %get3A_185 : vector<1x16xf32> to vector<16xf32>
      %get3A_187 = arith.index_cast %scan3A_112 : i32 to index
      %get3A_188 = arith.constant 48 : index
      %get3A_189 = tpu.vector_load %arg16[%get3A_187, %get3A_188] {strides = array<i32>} : memref<256x64xf32, #tpu.memory_space<vmem>>, vector<1x16xf32>,
      %get3A_190 = vector.shape_cast %get3A_189 : vector<1x16xf32> to vector<16xf32>
      %add3A_191 = arith.addf %get3A_186, %get3A_190 : vector<16xf32>
      %get3A_192 = arith.index_cast %scan3A_112 : i32 to index
      %get3A_193 = arith.constant 48 : index
      %get3A_194 = tpu.vector_load %arg17[%get3A_192, %get3A_193] {strides = array<i32>} : memref<256x64xf32, #tpu.memory_space<vmem>>, vector<1x16xf32>,
      %get3A_195 = vector.shape_cast %get3A_194 : vector<1x16xf32> to vector<16xf32>
      %add3A_196 = arith.addf %add3A_191, %get3A_195 : vector<16xf32>
      %get3A_197 = arith.index_cast %scan3A_112 : i32 to index
      %get3A_198 = arith.constant 48 : index
      %get3A_199 = tpu.vector_load %arg18[%get3A_197, %get3A_198] {strides = array<i32>} : memref<256x64xf32, #tpu.memory_space<vmem>>, vector<1x16xf32>,
      %get3A_200 = vector.shape_cast %get3A_199 : vector<1x16xf32> to vector<16xf32>
      %add3A_201 = arith.addf %add3A_196, %get3A_200 : vector<16xf32>
      %swap3A_202 = arith.index_cast %scan3A_112 : i32 to index
      %swap3A_203 = arith.constant 48 : index
      %swap3A_204 = tpu.vector_load %arg15[%swap3A_202, %swap3A_203] {strides = array<i32>} : memref<256x64xf32, #tpu.memory_space<vmem>>, vector<1x16xf32>,
      %swap3A_205 = vector.shape_cast %swap3A_204 : vector<1x16xf32> to vector<16xf32>
      %swap3A_206 = vector.shape_cast %add3A_201 : vector<16xf32> to vector<1x16xf32>
      tpu.vector_store %arg15[%swap3A_202, %swap3A_203], %swap3A_206 {strides = array<i32>} : memref<256x64xf32, #tpu.memory_space<vmem>>, vector<1x16xf32>,
    }
    %scan3A_55 = arith.constant 256 : i32
    "tpu.region"() ({
      %run_scoped3A = tpu.sem_alloc : memref<!tpu.dma_semaphore, #tpu.memory_space<semaphore_mem>>
      %dma_start3A_112 = arith.constant 0 : i32
      %dma_start3A_113 = tpu.memref_slice %arg10[%add3A_4, %dma_start3A_112] : memref<16384x64xf32, #tpu.memory_space<hbm>> -> memref<256x64xf32, #tpu.memory_space<hbm>>
      %dma_start3A_114 = arith.constant 0 : i32
      %dma_start3A_115 = tpu.memref_slice %arg10[%add3A_4, %dma_start3A_114] : memref<16384x64xf32, #tpu.memory_space<hbm>> -> memref<256x64xf32, #tpu.memory_space<hbm>>
      tpu.enqueue_dma source(%arg15 : memref<256x64xf32, #tpu.memory_space<vmem>>) target(%dma_start3A_115 : memref<256x64xf32, #tpu.memory_space<hbm>>) target_semaphore(%run_scoped3A : memref<!tpu.dma_semaphore, #tpu.memory_space<semaphore_mem>>)
      %dma_wait3A_116 = arith.constant 0 : i32
      %dma_wait3A_117 = tpu.memref_slice %arg10[%add3A_4, %dma_wait3A_116] : memref<16384x64xf32, #tpu.memory_space<hbm>> -> memref<256x64xf32, #tpu.memory_space<hbm>>
      %dma_wait3A_118 = arith.constant 0 : i32
      %dma_wait3A_119 = tpu.memref_slice %arg10[%add3A_4, %dma_wait3A_118] : memref<16384x64xf32, #tpu.memory_space<hbm>> -> memref<256x64xf32, #tpu.memory_space<hbm>>
      tpu.wait_dma2 semaphore(%run_scoped3A : memref<!tpu.dma_semaphore, #tpu.memory_space<semaphore_mem>>) src(%arg15 : memref<256x64xf32, #tpu.memory_space<vmem>>) dst(%dma_wait3A_119 : memref<256x64xf32, #tpu.memory_space<hbm>>)
      tpu.yield
    }) : () -> ()
    %add3A_56 = arith.constant 256 : i32
    %add3A_57 = arith.addi %mul3A_2, %add3A_56 : i32
    "tpu.region"() ({
      %run_scoped3A = tpu.sem_alloc : memref<!tpu.dma_semaphore, #tpu.memory_space<semaphore_mem>>
      %dma_start3A_112 = tpu.memref_slice %arg2[%add3A_57] : memref<16384xi32, #tpu.memory_space<hbm>> -> memref<256xi32, #tpu.memory_space<hbm>>
      %dma_start3A_113 = tpu.memref_slice %arg2[%add3A_57] : memref<16384xi32, #tpu.memory_space<hbm>> -> memref<256xi32, #tpu.memory_space<hbm>>
      tpu.enqueue_dma source(%dma_start3A_113 : memref<256xi32, #tpu.memory_space<hbm>>) target(%arg11 : memref<256xi32, #tpu.memory_space<vmem>>) target_semaphore(%run_scoped3A : memref<!tpu.dma_semaphore, #tpu.memory_space<semaphore_mem>>)
      %dma_wait3A_114 = tpu.memref_slice %arg2[%add3A_57] : memref<16384xi32, #tpu.memory_space<hbm>> -> memref<256xi32, #tpu.memory_space<hbm>>
      %dma_wait3A_115 = tpu.memref_slice %arg2[%add3A_57] : memref<16384xi32, #tpu.memory_space<hbm>> -> memref<256xi32, #tpu.memory_space<hbm>>
      tpu.wait_dma2 semaphore(%run_scoped3A : memref<!tpu.dma_semaphore, #tpu.memory_space<semaphore_mem>>) src(%dma_wait3A_115 : memref<256xi32, #tpu.memory_space<hbm>>) dst(%arg11 : memref<256xi32, #tpu.memory_space<vmem>>)
      tpu.yield
    }) : () -> ()
    %scan3A_58 = arith.constant 0 : i32
    %scan3A_59 = arith.constant 0 : i32
    %scan3A_60 = arith.constant 16 : i32
    %scan3A_61 = arith.addi %scan3A_59, %scan3A_60 : i32
    %scan3A_62 = arith.constant 1 : i32
    scf.for %scan3A_112 = %scan3A_59 to %scan3A_61 step %scan3A_62  : i32 {
      %mul3A_113 = arith.constant 16 : i32
      %mul3A_114 = arith.muli %scan3A_112, %mul3A_113 : i32
      %get3A = arith.index_cast %mul3A_114 : i32 to index
      %get3A_115 = tpu.vector_load %arg11[%get3A] {strides = array<i32>} : memref<256xi32, #tpu.memory_space<vmem>>, vector<16xi32>,
      %get3A_116 = vector.shape_cast %get3A_115 : vector<16xi32> to vector<16xi32>
      %and3A = arith.constant 16383 : i32
      %and3A_117 = vector.broadcast %and3A : i32 to vector<16xi32>
      %and3A_118 = arith.andi %get3A_116, %and3A_117 : vector<16xi32>
      %add3A_119 = arith.addi %and3A_118, %and3A_118 : vector<16xi32>
      %sub3A = arith.subi %get3A_116, %and3A_118 : vector<16xi32>
      %lt3A = arith.constant 8192 : i32
      %lt3A_120 = vector.broadcast %lt3A : i32 to vector<16xi32>
      %lt3A_121 = arith.cmpi slt, %and3A_118, %lt3A_120 : vector<16xi32>
      %sub3A_122 = arith.constant 16383 : i32
      %sub3A_123 = vector.broadcast %sub3A_122 : i32 to vector<16xi32>
      %sub3A_124 = arith.subi %add3A_119, %sub3A_123 : vector<16xi32>
      %select_n3A = arith.select %lt3A_121, %add3A_119, %sub3A_124 : vector<16xi1>, vector<16xi32>
      %add3A_125 = arith.addi %sub3A, %select_n3A : vector<16xi32>
      %mul3A_126 = arith.constant 16 : i32
      %mul3A_127 = arith.muli %scan3A_112, %mul3A_126 : i32
      %swap3A = arith.index_cast %mul3A_127 : i32 to index
      %swap3A_128 = tpu.vector_load %arg11[%swap3A] {strides = array<i32>} : memref<256xi32, #tpu.memory_space<vmem>>, vector<16xi32>,
      %swap3A_129 = vector.shape_cast %swap3A_128 : vector<16xi32> to vector<16xi32>
      %swap3A_130 = vector.shape_cast %add3A_125 : vector<16xi32> to vector<16xi32>
      tpu.vector_store %arg11[%swap3A], %swap3A_130 {strides = array<i32>} : memref<256xi32, #tpu.memory_space<vmem>>, vector<16xi32>,
    }
    %scan3A_63 = arith.constant 16 : i32
    "tpu.region"() ({
      %run_scoped3A = tpu.sem_alloc : memref<!tpu.dma_semaphore, #tpu.memory_space<semaphore_mem>>
      %dma_start3A_112 = tpu.memref_slice %arg3[%add3A_57] : memref<16384xi32, #tpu.memory_space<hbm>> -> memref<256xi32, #tpu.memory_space<hbm>>
      %dma_start3A_113 = tpu.memref_slice %arg3[%add3A_57] : memref<16384xi32, #tpu.memory_space<hbm>> -> memref<256xi32, #tpu.memory_space<hbm>>
      tpu.enqueue_dma source(%dma_start3A_113 : memref<256xi32, #tpu.memory_space<hbm>>) target(%arg12 : memref<256xi32, #tpu.memory_space<vmem>>) target_semaphore(%run_scoped3A : memref<!tpu.dma_semaphore, #tpu.memory_space<semaphore_mem>>)
      %dma_wait3A_114 = tpu.memref_slice %arg3[%add3A_57] : memref<16384xi32, #tpu.memory_space<hbm>> -> memref<256xi32, #tpu.memory_space<hbm>>
      %dma_wait3A_115 = tpu.memref_slice %arg3[%add3A_57] : memref<16384xi32, #tpu.memory_space<hbm>> -> memref<256xi32, #tpu.memory_space<hbm>>
      tpu.wait_dma2 semaphore(%run_scoped3A : memref<!tpu.dma_semaphore, #tpu.memory_space<semaphore_mem>>) src(%dma_wait3A_115 : memref<256xi32, #tpu.memory_space<hbm>>) dst(%arg12 : memref<256xi32, #tpu.memory_space<vmem>>)
      tpu.yield
    }) : () -> ()
    %scan3A_64 = arith.constant 0 : i32
    %scan3A_65 = arith.constant 0 : i32
    %scan3A_66 = arith.constant 16 : i32
    %scan3A_67 = arith.addi %scan3A_65, %scan3A_66 : i32
    %scan3A_68 = arith.constant 1 : i32
    scf.for %scan3A_112 = %scan3A_65 to %scan3A_67 step %scan3A_68  : i32 {
      %mul3A_113 = arith.constant 16 : i32
      %mul3A_114 = arith.muli %scan3A_112, %mul3A_113 : i32
      %get3A = arith.index_cast %mul3A_114 : i32 to index
      %get3A_115 = tpu.vector_load %arg12[%get3A] {strides = array<i32>} : memref<256xi32, #tpu.memory_space<vmem>>, vector<16xi32>,
      %get3A_116 = vector.shape_cast %get3A_115 : vector<16xi32> to vector<16xi32>
      %and3A = arith.constant 16383 : i32
      %and3A_117 = vector.broadcast %and3A : i32 to vector<16xi32>
      %and3A_118 = arith.andi %get3A_116, %and3A_117 : vector<16xi32>
      %add3A_119 = arith.addi %and3A_118, %and3A_118 : vector<16xi32>
      %sub3A = arith.subi %get3A_116, %and3A_118 : vector<16xi32>
      %lt3A = arith.constant 8192 : i32
      %lt3A_120 = vector.broadcast %lt3A : i32 to vector<16xi32>
      %lt3A_121 = arith.cmpi slt, %and3A_118, %lt3A_120 : vector<16xi32>
      %sub3A_122 = arith.constant 16383 : i32
      %sub3A_123 = vector.broadcast %sub3A_122 : i32 to vector<16xi32>
      %sub3A_124 = arith.subi %add3A_119, %sub3A_123 : vector<16xi32>
      %select_n3A = arith.select %lt3A_121, %add3A_119, %sub3A_124 : vector<16xi1>, vector<16xi32>
      %add3A_125 = arith.addi %sub3A, %select_n3A : vector<16xi32>
      %mul3A_126 = arith.constant 16 : i32
      %mul3A_127 = arith.muli %scan3A_112, %mul3A_126 : i32
      %swap3A = arith.index_cast %mul3A_127 : i32 to index
      %swap3A_128 = tpu.vector_load %arg12[%swap3A] {strides = array<i32>} : memref<256xi32, #tpu.memory_space<vmem>>, vector<16xi32>,
      %swap3A_129 = vector.shape_cast %swap3A_128 : vector<16xi32> to vector<16xi32>
      %swap3A_130 = vector.shape_cast %add3A_125 : vector<16xi32> to vector<16xi32>
      tpu.vector_store %arg12[%swap3A], %swap3A_130 {strides = array<i32>} : memref<256xi32, #tpu.memory_space<vmem>>, vector<16xi32>,
    }
    %scan3A_69 = arith.constant 16 : i32
    "tpu.region"() ({
      %run_scoped3A = tpu.sem_alloc : memref<!tpu.dma_semaphore, #tpu.memory_space<semaphore_mem>>
      %dma_start3A_112 = tpu.memref_slice %arg4[%add3A_57] : memref<16384xi32, #tpu.memory_space<hbm>> -> memref<256xi32, #tpu.memory_space<hbm>>
      %dma_start3A_113 = tpu.memref_slice %arg4[%add3A_57] : memref<16384xi32, #tpu.memory_space<hbm>> -> memref<256xi32, #tpu.memory_space<hbm>>
      tpu.enqueue_dma source(%dma_start3A_113 : memref<256xi32, #tpu.memory_space<hbm>>) target(%arg13 : memref<256xi32, #tpu.memory_space<vmem>>) target_semaphore(%run_scoped3A : memref<!tpu.dma_semaphore, #tpu.memory_space<semaphore_mem>>)
      %dma_wait3A_114 = tpu.memref_slice %arg4[%add3A_57] : memref<16384xi32, #tpu.memory_space<hbm>> -> memref<256xi32, #tpu.memory_space<hbm>>
      %dma_wait3A_115 = tpu.memref_slice %arg4[%add3A_57] : memref<16384xi32, #tpu.memory_space<hbm>> -> memref<256xi32, #tpu.memory_space<hbm>>
      tpu.wait_dma2 semaphore(%run_scoped3A : memref<!tpu.dma_semaphore, #tpu.memory_space<semaphore_mem>>) src(%dma_wait3A_115 : memref<256xi32, #tpu.memory_space<hbm>>) dst(%arg13 : memref<256xi32, #tpu.memory_space<vmem>>)
      tpu.yield
    }) : () -> ()
    %scan3A_70 = arith.constant 0 : i32
    %scan3A_71 = arith.constant 0 : i32
    %scan3A_72 = arith.constant 16 : i32
    %scan3A_73 = arith.addi %scan3A_71, %scan3A_72 : i32
    %scan3A_74 = arith.constant 1 : i32
    scf.for %scan3A_112 = %scan3A_71 to %scan3A_73 step %scan3A_74  : i32 {
      %mul3A_113 = arith.constant 16 : i32
      %mul3A_114 = arith.muli %scan3A_112, %mul3A_113 : i32
      %get3A = arith.index_cast %mul3A_114 : i32 to index
      %get3A_115 = tpu.vector_load %arg13[%get3A] {strides = array<i32>} : memref<256xi32, #tpu.memory_space<vmem>>, vector<16xi32>,
      %get3A_116 = vector.shape_cast %get3A_115 : vector<16xi32> to vector<16xi32>
      %and3A = arith.constant 16383 : i32
      %and3A_117 = vector.broadcast %and3A : i32 to vector<16xi32>
      %and3A_118 = arith.andi %get3A_116, %and3A_117 : vector<16xi32>
      %add3A_119 = arith.addi %and3A_118, %and3A_118 : vector<16xi32>
      %sub3A = arith.subi %get3A_116, %and3A_118 : vector<16xi32>
      %lt3A = arith.constant 8192 : i32
      %lt3A_120 = vector.broadcast %lt3A : i32 to vector<16xi32>
      %lt3A_121 = arith.cmpi slt, %and3A_118, %lt3A_120 : vector<16xi32>
      %sub3A_122 = arith.constant 16383 : i32
      %sub3A_123 = vector.broadcast %sub3A_122 : i32 to vector<16xi32>
      %sub3A_124 = arith.subi %add3A_119, %sub3A_123 : vector<16xi32>
      %select_n3A = arith.select %lt3A_121, %add3A_119, %sub3A_124 : vector<16xi1>, vector<16xi32>
      %add3A_125 = arith.addi %sub3A, %select_n3A : vector<16xi32>
      %mul3A_126 = arith.constant 16 : i32
      %mul3A_127 = arith.muli %scan3A_112, %mul3A_126 : i32
      %swap3A = arith.index_cast %mul3A_127 : i32 to index
      %swap3A_128 = tpu.vector_load %arg13[%swap3A] {strides = array<i32>} : memref<256xi32, #tpu.memory_space<vmem>>, vector<16xi32>,
      %swap3A_129 = vector.shape_cast %swap3A_128 : vector<16xi32> to vector<16xi32>
      %swap3A_130 = vector.shape_cast %add3A_125 : vector<16xi32> to vector<16xi32>
      tpu.vector_store %arg13[%swap3A], %swap3A_130 {strides = array<i32>} : memref<256xi32, #tpu.memory_space<vmem>>, vector<16xi32>,
    }
    %scan3A_75 = arith.constant 16 : i32
    "tpu.region"() ({
      %run_scoped3A = tpu.sem_alloc : memref<!tpu.dma_semaphore, #tpu.memory_space<semaphore_mem>>
      %dma_start3A_112 = tpu.memref_slice %arg5[%add3A_57] : memref<16384xi32, #tpu.memory_space<hbm>> -> memref<256xi32, #tpu.memory_space<hbm>>
      %dma_start3A_113 = tpu.memref_slice %arg5[%add3A_57] : memref<16384xi32, #tpu.memory_space<hbm>> -> memref<256xi32, #tpu.memory_space<hbm>>
      tpu.enqueue_dma source(%dma_start3A_113 : memref<256xi32, #tpu.memory_space<hbm>>) target(%arg14 : memref<256xi32, #tpu.memory_space<vmem>>) target_semaphore(%run_scoped3A : memref<!tpu.dma_semaphore, #tpu.memory_space<semaphore_mem>>)
      %dma_wait3A_114 = tpu.memref_slice %arg5[%add3A_57] : memref<16384xi32, #tpu.memory_space<hbm>> -> memref<256xi32, #tpu.memory_space<hbm>>
      %dma_wait3A_115 = tpu.memref_slice %arg5[%add3A_57] : memref<16384xi32, #tpu.memory_space<hbm>> -> memref<256xi32, #tpu.memory_space<hbm>>
      tpu.wait_dma2 semaphore(%run_scoped3A : memref<!tpu.dma_semaphore, #tpu.memory_space<semaphore_mem>>) src(%dma_wait3A_115 : memref<256xi32, #tpu.memory_space<hbm>>) dst(%arg14 : memref<256xi32, #tpu.memory_space<vmem>>)
      tpu.yield
    }) : () -> ()
    %scan3A_76 = arith.constant 0 : i32
    %scan3A_77 = arith.constant 0 : i32
    %scan3A_78 = arith.constant 16 : i32
    %scan3A_79 = arith.addi %scan3A_77, %scan3A_78 : i32
    %scan3A_80 = arith.constant 1 : i32
    scf.for %scan3A_112 = %scan3A_77 to %scan3A_79 step %scan3A_80  : i32 {
      %mul3A_113 = arith.constant 16 : i32
      %mul3A_114 = arith.muli %scan3A_112, %mul3A_113 : i32
      %get3A = arith.index_cast %mul3A_114 : i32 to index
      %get3A_115 = tpu.vector_load %arg14[%get3A] {strides = array<i32>} : memref<256xi32, #tpu.memory_space<vmem>>, vector<16xi32>,
      %get3A_116 = vector.shape_cast %get3A_115 : vector<16xi32> to vector<16xi32>
      %and3A = arith.constant 16383 : i32
      %and3A_117 = vector.broadcast %and3A : i32 to vector<16xi32>
      %and3A_118 = arith.andi %get3A_116, %and3A_117 : vector<16xi32>
      %add3A_119 = arith.addi %and3A_118, %and3A_118 : vector<16xi32>
      %sub3A = arith.subi %get3A_116, %and3A_118 : vector<16xi32>
      %lt3A = arith.constant 8192 : i32
      %lt3A_120 = vector.broadcast %lt3A : i32 to vector<16xi32>
      %lt3A_121 = arith.cmpi slt, %and3A_118, %lt3A_120 : vector<16xi32>
      %sub3A_122 = arith.constant 16383 : i32
      %sub3A_123 = vector.broadcast %sub3A_122 : i32 to vector<16xi32>
      %sub3A_124 = arith.subi %add3A_119, %sub3A_123 : vector<16xi32>
      %select_n3A = arith.select %lt3A_121, %add3A_119, %sub3A_124 : vector<16xi1>, vector<16xi32>
      %add3A_125 = arith.addi %sub3A, %select_n3A : vector<16xi32>
      %mul3A_126 = arith.constant 16 : i32
      %mul3A_127 = arith.muli %scan3A_112, %mul3A_126 : i32
      %swap3A = arith.index_cast %mul3A_127 : i32 to index
      %swap3A_128 = tpu.vector_load %arg14[%swap3A] {strides = array<i32>} : memref<256xi32, #tpu.memory_space<vmem>>, vector<16xi32>,
      %swap3A_129 = vector.shape_cast %swap3A_128 : vector<16xi32> to vector<16xi32>
      %swap3A_130 = vector.shape_cast %add3A_125 : vector<16xi32> to vector<16xi32>
      tpu.vector_store %arg14[%swap3A], %swap3A_130 {strides = array<i32>} : memref<256xi32, #tpu.memory_space<vmem>>, vector<16xi32>,
    }
    %scan3A_81 = arith.constant 16 : i32
    %dma_start3A_82 = arith.constant 0 : i32
    %dma_start3A_83 = arith.constant 0 : i32
    %dma_start3A_84 = tpu.memref_slice %arg6[%dma_start3A_82, %dma_start3A_83] : memref<114688x64xf32, #tpu.memory_space<hbm>> -> memref<114688x64xf32, #tpu.memory_space<hbm>>
    tpu.enqueue_indirect_dma source(%dma_start3A_84 : memref<114688x64xf32, #tpu.memory_space<hbm>>) target(%arg15 : memref<256x64xf32, #tpu.memory_space<vmem>>) offsets(%arg11 : memref<256xi32, #tpu.memory_space<vmem>>) semaphore(%arg19 : memref<!tpu.dma_semaphore, #tpu.memory_space<semaphore_mem>>)
    %dma_start3A_85 = arith.constant 0 : i32
    %dma_start3A_86 = arith.constant 0 : i32
    %dma_start3A_87 = tpu.memref_slice %arg7[%dma_start3A_85, %dma_start3A_86] : memref<114688x64xf32, #tpu.memory_space<hbm>> -> memref<114688x64xf32, #tpu.memory_space<hbm>>
    tpu.enqueue_indirect_dma source(%dma_start3A_87 : memref<114688x64xf32, #tpu.memory_space<hbm>>) target(%arg16 : memref<256x64xf32, #tpu.memory_space<vmem>>) offsets(%arg12 : memref<256xi32, #tpu.memory_space<vmem>>) semaphore(%arg19 : memref<!tpu.dma_semaphore, #tpu.memory_space<semaphore_mem>>)
    %dma_start3A_88 = arith.constant 0 : i32
    %dma_start3A_89 = arith.constant 0 : i32
    %dma_start3A_90 = tpu.memref_slice %arg8[%dma_start3A_88, %dma_start3A_89] : memref<114688x64xf32, #tpu.memory_space<hbm>> -> memref<114688x64xf32, #tpu.memory_space<hbm>>
    tpu.enqueue_indirect_dma source(%dma_start3A_90 : memref<114688x64xf32, #tpu.memory_space<hbm>>) target(%arg17 : memref<256x64xf32, #tpu.memory_space<vmem>>) offsets(%arg13 : memref<256xi32, #tpu.memory_space<vmem>>) semaphore(%arg19 : memref<!tpu.dma_semaphore, #tpu.memory_space<semaphore_mem>>)
    %dma_start3A_91 = arith.constant 0 : i32
    %dma_start3A_92 = arith.constant 0 : i32
    %dma_start3A_93 = tpu.memref_slice %arg9[%dma_start3A_91, %dma_start3A_92] : memref<114688x64xf32, #tpu.memory_space<hbm>> -> memref<114688x64xf32, #tpu.memory_space<hbm>>
    tpu.enqueue_indirect_dma source(%dma_start3A_93 : memref<114688x64xf32, #tpu.memory_space<hbm>>) target(%arg18 : memref<256x64xf32, #tpu.memory_space<vmem>>) offsets(%arg14 : memref<256xi32, #tpu.memory_space<vmem>>) semaphore(%arg19 : memref<!tpu.dma_semaphore, #tpu.memory_space<semaphore_mem>>)
    %dma_wait3A_94 = arith.constant 0 : i32
    %dma_wait3A_95 = arith.constant 0 : i32
    %dma_wait3A_96 = tpu.memref_slice %arg6[%dma_wait3A_94, %dma_wait3A_95] : memref<114688x64xf32, #tpu.memory_space<hbm>> -> memref<114688x64xf32, #tpu.memory_space<hbm>>
    tpu.wait_indirect_dma semaphore(%arg19 : memref<!tpu.dma_semaphore, #tpu.memory_space<semaphore_mem>>) src(%dma_wait3A_96 : memref<114688x64xf32, #tpu.memory_space<hbm>>) dst(%arg15 : memref<256x64xf32, #tpu.memory_space<vmem>>)
    %dma_wait3A_97 = arith.constant 0 : i32
    %dma_wait3A_98 = arith.constant 0 : i32
    %dma_wait3A_99 = tpu.memref_slice %arg7[%dma_wait3A_97, %dma_wait3A_98] : memref<114688x64xf32, #tpu.memory_space<hbm>> -> memref<114688x64xf32, #tpu.memory_space<hbm>>
    tpu.wait_indirect_dma semaphore(%arg19 : memref<!tpu.dma_semaphore, #tpu.memory_space<semaphore_mem>>) src(%dma_wait3A_99 : memref<114688x64xf32, #tpu.memory_space<hbm>>) dst(%arg16 : memref<256x64xf32, #tpu.memory_space<vmem>>)
    %dma_wait3A_100 = arith.constant 0 : i32
    %dma_wait3A_101 = arith.constant 0 : i32
    %dma_wait3A_102 = tpu.memref_slice %arg8[%dma_wait3A_100, %dma_wait3A_101] : memref<114688x64xf32, #tpu.memory_space<hbm>> -> memref<114688x64xf32, #tpu.memory_space<hbm>>
    tpu.wait_indirect_dma semaphore(%arg19 : memref<!tpu.dma_semaphore, #tpu.memory_space<semaphore_mem>>) src(%dma_wait3A_102 : memref<114688x64xf32, #tpu.memory_space<hbm>>) dst(%arg17 : memref<256x64xf32, #tpu.memory_space<vmem>>)
    %dma_wait3A_103 = arith.constant 0 : i32
    %dma_wait3A_104 = arith.constant 0 : i32
    %dma_wait3A_105 = tpu.memref_slice %arg9[%dma_wait3A_103, %dma_wait3A_104] : memref<114688x64xf32, #tpu.memory_space<hbm>> -> memref<114688x64xf32, #tpu.memory_space<hbm>>
    tpu.wait_indirect_dma semaphore(%arg19 : memref<!tpu.dma_semaphore, #tpu.memory_space<semaphore_mem>>) src(%dma_wait3A_105 : memref<114688x64xf32, #tpu.memory_space<hbm>>) dst(%arg18 : memref<256x64xf32, #tpu.memory_space<vmem>>)
    %scan3A_106 = arith.constant 0 : i32
    %scan3A_107 = arith.constant 0 : i32
    %scan3A_108 = arith.constant 256 : i32
    %scan3A_109 = arith.addi %scan3A_107, %scan3A_108 : i32
    %scan3A_110 = arith.constant 1 : i32
    scf.for %scan3A_112 = %scan3A_107 to %scan3A_109 step %scan3A_110  : i32 {
      %get3A = arith.index_cast %scan3A_112 : i32 to index
      %get3A_113 = arith.constant 0 : index
      %get3A_114 = tpu.vector_load %arg15[%get3A, %get3A_113] {strides = array<i32>} : memref<256x64xf32, #tpu.memory_space<vmem>>, vector<1x16xf32>,
      %get3A_115 = vector.shape_cast %get3A_114 : vector<1x16xf32> to vector<16xf32>
      %get3A_116 = arith.index_cast %scan3A_112 : i32 to index
      %get3A_117 = arith.constant 0 : index
      %get3A_118 = tpu.vector_load %arg16[%get3A_116, %get3A_117] {strides = array<i32>} : memref<256x64xf32, #tpu.memory_space<vmem>>, vector<1x16xf32>,
      %get3A_119 = vector.shape_cast %get3A_118 : vector<1x16xf32> to vector<16xf32>
      %add3A_120 = arith.addf %get3A_115, %get3A_119 : vector<16xf32>
      %get3A_121 = arith.index_cast %scan3A_112 : i32 to index
      %get3A_122 = arith.constant 0 : index
      %get3A_123 = tpu.vector_load %arg17[%get3A_121, %get3A_122] {strides = array<i32>} : memref<256x64xf32, #tpu.memory_space<vmem>>, vector<1x16xf32>,
      %get3A_124 = vector.shape_cast %get3A_123 : vector<1x16xf32> to vector<16xf32>
      %add3A_125 = arith.addf %add3A_120, %get3A_124 : vector<16xf32>
      %get3A_126 = arith.index_cast %scan3A_112 : i32 to index
      %get3A_127 = arith.constant 0 : index
      %get3A_128 = tpu.vector_load %arg18[%get3A_126, %get3A_127] {strides = array<i32>} : memref<256x64xf32, #tpu.memory_space<vmem>>, vector<1x16xf32>,
      %get3A_129 = vector.shape_cast %get3A_128 : vector<1x16xf32> to vector<16xf32>
      %add3A_130 = arith.addf %add3A_125, %get3A_129 : vector<16xf32>
      %swap3A = arith.index_cast %scan3A_112 : i32 to index
      %swap3A_131 = arith.constant 0 : index
      %swap3A_132 = tpu.vector_load %arg15[%swap3A, %swap3A_131] {strides = array<i32>} : memref<256x64xf32, #tpu.memory_space<vmem>>, vector<1x16xf32>,
      %swap3A_133 = vector.shape_cast %swap3A_132 : vector<1x16xf32> to vector<16xf32>
      %swap3A_134 = vector.shape_cast %add3A_130 : vector<16xf32> to vector<1x16xf32>
      tpu.vector_store %arg15[%swap3A, %swap3A_131], %swap3A_134 {strides = array<i32>} : memref<256x64xf32, #tpu.memory_space<vmem>>, vector<1x16xf32>,
      %get3A_135 = arith.index_cast %scan3A_112 : i32 to index
      %get3A_136 = arith.constant 16 : index
      %get3A_137 = tpu.vector_load %arg15[%get3A_135, %get3A_136] {strides = array<i32>} : memref<256x64xf32, #tpu.memory_space<vmem>>, vector<1x16xf32>,
      %get3A_138 = vector.shape_cast %get3A_137 : vector<1x16xf32> to vector<16xf32>
      %get3A_139 = arith.index_cast %scan3A_112 : i32 to index
      %get3A_140 = arith.constant 16 : index
      %get3A_141 = tpu.vector_load %arg16[%get3A_139, %get3A_140] {strides = array<i32>} : memref<256x64xf32, #tpu.memory_space<vmem>>, vector<1x16xf32>,
      %get3A_142 = vector.shape_cast %get3A_141 : vector<1x16xf32> to vector<16xf32>
      %add3A_143 = arith.addf %get3A_138, %get3A_142 : vector<16xf32>
      %get3A_144 = arith.index_cast %scan3A_112 : i32 to index
      %get3A_145 = arith.constant 16 : index
      %get3A_146 = tpu.vector_load %arg17[%get3A_144, %get3A_145] {strides = array<i32>} : memref<256x64xf32, #tpu.memory_space<vmem>>, vector<1x16xf32>,
      %get3A_147 = vector.shape_cast %get3A_146 : vector<1x16xf32> to vector<16xf32>
      %add3A_148 = arith.addf %add3A_143, %get3A_147 : vector<16xf32>
      %get3A_149 = arith.index_cast %scan3A_112 : i32 to index
      %get3A_150 = arith.constant 16 : index
      %get3A_151 = tpu.vector_load %arg18[%get3A_149, %get3A_150] {strides = array<i32>} : memref<256x64xf32, #tpu.memory_space<vmem>>, vector<1x16xf32>,
      %get3A_152 = vector.shape_cast %get3A_151 : vector<1x16xf32> to vector<16xf32>
      %add3A_153 = arith.addf %add3A_148, %get3A_152 : vector<16xf32>
      %swap3A_154 = arith.index_cast %scan3A_112 : i32 to index
      %swap3A_155 = arith.constant 16 : index
      %swap3A_156 = tpu.vector_load %arg15[%swap3A_154, %swap3A_155] {strides = array<i32>} : memref<256x64xf32, #tpu.memory_space<vmem>>, vector<1x16xf32>,
      %swap3A_157 = vector.shape_cast %swap3A_156 : vector<1x16xf32> to vector<16xf32>
      %swap3A_158 = vector.shape_cast %add3A_153 : vector<16xf32> to vector<1x16xf32>
      tpu.vector_store %arg15[%swap3A_154, %swap3A_155], %swap3A_158 {strides = array<i32>} : memref<256x64xf32, #tpu.memory_space<vmem>>, vector<1x16xf32>,
      %get3A_159 = arith.index_cast %scan3A_112 : i32 to index
      %get3A_160 = arith.constant 32 : index
      %get3A_161 = tpu.vector_load %arg15[%get3A_159, %get3A_160] {strides = array<i32>} : memref<256x64xf32, #tpu.memory_space<vmem>>, vector<1x16xf32>,
      %get3A_162 = vector.shape_cast %get3A_161 : vector<1x16xf32> to vector<16xf32>
      %get3A_163 = arith.index_cast %scan3A_112 : i32 to index
      %get3A_164 = arith.constant 32 : index
      %get3A_165 = tpu.vector_load %arg16[%get3A_163, %get3A_164] {strides = array<i32>} : memref<256x64xf32, #tpu.memory_space<vmem>>, vector<1x16xf32>,
      %get3A_166 = vector.shape_cast %get3A_165 : vector<1x16xf32> to vector<16xf32>
      %add3A_167 = arith.addf %get3A_162, %get3A_166 : vector<16xf32>
      %get3A_168 = arith.index_cast %scan3A_112 : i32 to index
      %get3A_169 = arith.constant 32 : index
      %get3A_170 = tpu.vector_load %arg17[%get3A_168, %get3A_169] {strides = array<i32>} : memref<256x64xf32, #tpu.memory_space<vmem>>, vector<1x16xf32>,
      %get3A_171 = vector.shape_cast %get3A_170 : vector<1x16xf32> to vector<16xf32>
      %add3A_172 = arith.addf %add3A_167, %get3A_171 : vector<16xf32>
      %get3A_173 = arith.index_cast %scan3A_112 : i32 to index
      %get3A_174 = arith.constant 32 : index
      %get3A_175 = tpu.vector_load %arg18[%get3A_173, %get3A_174] {strides = array<i32>} : memref<256x64xf32, #tpu.memory_space<vmem>>, vector<1x16xf32>,
      %get3A_176 = vector.shape_cast %get3A_175 : vector<1x16xf32> to vector<16xf32>
      %add3A_177 = arith.addf %add3A_172, %get3A_176 : vector<16xf32>
      %swap3A_178 = arith.index_cast %scan3A_112 : i32 to index
      %swap3A_179 = arith.constant 32 : index
      %swap3A_180 = tpu.vector_load %arg15[%swap3A_178, %swap3A_179] {strides = array<i32>} : memref<256x64xf32, #tpu.memory_space<vmem>>, vector<1x16xf32>,
      %swap3A_181 = vector.shape_cast %swap3A_180 : vector<1x16xf32> to vector<16xf32>
      %swap3A_182 = vector.shape_cast %add3A_177 : vector<16xf32> to vector<1x16xf32>
      tpu.vector_store %arg15[%swap3A_178, %swap3A_179], %swap3A_182 {strides = array<i32>} : memref<256x64xf32, #tpu.memory_space<vmem>>, vector<1x16xf32>,
      %get3A_183 = arith.index_cast %scan3A_112 : i32 to index
      %get3A_184 = arith.constant 48 : index
      %get3A_185 = tpu.vector_load %arg15[%get3A_183, %get3A_184] {strides = array<i32>} : memref<256x64xf32, #tpu.memory_space<vmem>>, vector<1x16xf32>,
      %get3A_186 = vector.shape_cast %get3A_185 : vector<1x16xf32> to vector<16xf32>
      %get3A_187 = arith.index_cast %scan3A_112 : i32 to index
      %get3A_188 = arith.constant 48 : index
      %get3A_189 = tpu.vector_load %arg16[%get3A_187, %get3A_188] {strides = array<i32>} : memref<256x64xf32, #tpu.memory_space<vmem>>, vector<1x16xf32>,
      %get3A_190 = vector.shape_cast %get3A_189 : vector<1x16xf32> to vector<16xf32>
      %add3A_191 = arith.addf %get3A_186, %get3A_190 : vector<16xf32>
      %get3A_192 = arith.index_cast %scan3A_112 : i32 to index
      %get3A_193 = arith.constant 48 : index
      %get3A_194 = tpu.vector_load %arg17[%get3A_192, %get3A_193] {strides = array<i32>} : memref<256x64xf32, #tpu.memory_space<vmem>>, vector<1x16xf32>,
      %get3A_195 = vector.shape_cast %get3A_194 : vector<1x16xf32> to vector<16xf32>
      %add3A_196 = arith.addf %add3A_191, %get3A_195 : vector<16xf32>
      %get3A_197 = arith.index_cast %scan3A_112 : i32 to index
      %get3A_198 = arith.constant 48 : index
      %get3A_199 = tpu.vector_load %arg18[%get3A_197, %get3A_198] {strides = array<i32>} : memref<256x64xf32, #tpu.memory_space<vmem>>, vector<1x16xf32>,
      %get3A_200 = vector.shape_cast %get3A_199 : vector<1x16xf32> to vector<16xf32>
      %add3A_201 = arith.addf %add3A_196, %get3A_200 : vector<16xf32>
      %swap3A_202 = arith.index_cast %scan3A_112 : i32 to index
      %swap3A_203 = arith.constant 48 : index
      %swap3A_204 = tpu.vector_load %arg15[%swap3A_202, %swap3A_203] {strides = array<i32>} : memref<256x64xf32, #tpu.memory_space<vmem>>, vector<1x16xf32>,
      %swap3A_205 = vector.shape_cast %swap3A_204 : vector<1x16xf32> to vector<16xf32>
      %swap3A_206 = vector.shape_cast %add3A_201 : vector<16xf32> to vector<1x16xf32>
      tpu.vector_store %arg15[%swap3A_202, %swap3A_203], %swap3A_206 {strides = array<i32>} : memref<256x64xf32, #tpu.memory_space<vmem>>, vector<1x16xf32>,
    }
    %scan3A_111 = arith.constant 256 : i32
    "tpu.region"() ({
      %run_scoped3A = tpu.sem_alloc : memref<!tpu.dma_semaphore, #tpu.memory_space<semaphore_mem>>
      %dma_start3A_112 = arith.constant 0 : i32
      %dma_start3A_113 = tpu.memref_slice %arg10[%add3A_57, %dma_start3A_112] : memref<16384x64xf32, #tpu.memory_space<hbm>> -> memref<256x64xf32, #tpu.memory_space<hbm>>
      %dma_start3A_114 = arith.constant 0 : i32
      %dma_start3A_115 = tpu.memref_slice %arg10[%add3A_57, %dma_start3A_114] : memref<16384x64xf32, #tpu.memory_space<hbm>> -> memref<256x64xf32, #tpu.memory_space<hbm>>
      tpu.enqueue_dma source(%arg15 : memref<256x64xf32, #tpu.memory_space<vmem>>) target(%dma_start3A_115 : memref<256x64xf32, #tpu.memory_space<hbm>>) target_semaphore(%run_scoped3A : memref<!tpu.dma_semaphore, #tpu.memory_space<semaphore_mem>>)
      %dma_wait3A_116 = arith.constant 0 : i32
      %dma_wait3A_117 = tpu.memref_slice %arg10[%add3A_57, %dma_wait3A_116] : memref<16384x64xf32, #tpu.memory_space<hbm>> -> memref<256x64xf32, #tpu.memory_space<hbm>>
      %dma_wait3A_118 = arith.constant 0 : i32
      %dma_wait3A_119 = tpu.memref_slice %arg10[%add3A_57, %dma_wait3A_118] : memref<16384x64xf32, #tpu.memory_space<hbm>> -> memref<256x64xf32, #tpu.memory_space<hbm>>
      tpu.wait_dma2 semaphore(%run_scoped3A : memref<!tpu.dma_semaphore, #tpu.memory_space<semaphore_mem>>) src(%arg15 : memref<256x64xf32, #tpu.memory_space<vmem>>) dst(%dma_wait3A_119 : memref<256x64xf32, #tpu.memory_space<hbm>>)
      tpu.yield
    }) : () -> ()
    return
  }
}

module attributes {stable_mosaic.version = 14 : i64} {
  func.func @_transpose_body(%arg0: i32, %arg1: memref<64x16384xf32, #tpu.memory_space<vmem>>, %arg2: memref<8192x128xf32, #tpu.memory_space<vmem>>) attributes {dimension_semantics = [#tpu.dimension_semantics<arbitrary>], iteration_bounds = array<i64: 7>, scalar_prefetch = 0 : i64, scratch_operands = 0 : i64, tpu.core_type = #tpu.core_type<tc>, window_params = [{transform_indices = @transform_0, window_bounds = array<i64: 64, 16384>}, {transform_indices = @transform_1, window_bounds = array<i64: 8192, 128>}]} {
    %get3A = arith.constant 0 : index
    %get3A_0 = arith.constant 0 : index
    %get3A_1 = vector.load %arg1[%get3A, %get3A_0] : memref<64x16384xf32, #tpu.memory_space<vmem>>, vector<64x16384xf32>
    %slice3A = vector.extract_strided_slice %get3A_1 {offsets = [0, 0], sizes = [64, 8192], strides = [1, 1]} : vector<64x16384xf32> to vector<64x8192xf32>
    %slice3A_2 = vector.extract_strided_slice %get3A_1 {offsets = [0, 8192], sizes = [64, 8192], strides = [1, 1]} : vector<64x16384xf32> to vector<64x8192xf32>
    %concatenate3A = tpu.concatenate %slice3A, %slice3A_2 in 0 : vector<64x8192xf32>, vector<64x8192xf32> -> vector<128x8192xf32>
    %iota3A = tpu.iota {dimensions = array<i32: 0>} : vector<128x128xi32>
    %iota3A_3 = tpu.iota {dimensions = array<i32: 1>} : vector<128x128xi32>
    %add3A = arith.constant 0 : i32
    %add3A_4 = vector.broadcast %add3A : i32 to vector<128x128xi32>
    %add3A_5 = arith.addi %iota3A, %add3A_4 : vector<128x128xi32>
    %eq3A = arith.cmpi eq, %add3A_5, %iota3A_3 : vector<128x128xi32>
    %convert_element_type3A = arith.extui %eq3A : vector<128x128xi1> to vector<128x128xi32>
    %convert_element_type3A_6 = arith.sitofp %convert_element_type3A : vector<128x128xi32> to vector<128x128xf32>
    %dot_general3A = arith.constant dense<0.000000e+00> : vector<8192x128xf32>
    %dot_general3A_7 = tpu.matmul %concatenate3A, %convert_element_type3A_6, %dot_general3A {dimension_numbers = #tpu.dot_dimension_numbers<[0], [0], [1], [1], [0, 1, 1, 1], [], []>, transpose_lhs_hint = false} : vector<128x8192xf32>, vector<128x128xf32>, vector<8192x128xf32> -> vector<8192x128xf32>
    %swap3A = arith.constant 0 : index
    %swap3A_8 = arith.constant 0 : index
    %swap3A_9 = vector.load %arg2[%swap3A, %swap3A_8] : memref<8192x128xf32, #tpu.memory_space<vmem>>, vector<8192x128xf32>
    tpu.vector_store %arg2[%swap3A, %swap3A_8], %dot_general3A_7 {strides = array<i32>} : memref<8192x128xf32, #tpu.memory_space<vmem>>, vector<8192x128xf32>,
    return
  }
  func.func @transform_0(%arg0: i32) -> (i32, i32) {
    %c0_i32 = arith.constant 0 : i32
    %c0_i32_0 = arith.constant 0 : i32
    return %c0_i32, %arg0 : i32, i32
  }
  func.func @transform_1(%arg0: i32) -> (i32, i32) {
    %c0_i32 = arith.constant 0 : i32
    %c0_i32_0 = arith.constant 0 : i32
    return %arg0, %c0_i32 : i32, i32
  }
}

</mosaic_0001>

<sc_bundles>
// kernel: kernel.7.cloned.1.call-start
scs
__scs_entry_jumppad:
0x0: {  	(pc) =	sbr.rel $0x88, $3  }
0x1: {  	(tag) =	ssettag $0x0;
	lr =	simm.s32 $0x1  }
0x2: {  	[smem:$0x3F99] =	sst lr;
	_ =	strace $0xD0000000  }
0x3: {  	_ = 	snop  }
0x4: {  	_ = 	snop  }
0x5: {  	_ = 	snop  }
0x6: {  	_ = 	snop  }
0x7: {  	_ = 	snop  }
__scs_overlays_trampoline_lowered:
0x8: {  	[smem:$0x3FA8] =	sst s0  }
0x9: {  	[smem:$0x3FA9] =	sst s1  }
0xa: {  	[smem:$0x3FAA] =	sst s2  }
0xb: {  	[smem:$0x3FAB] =	sst s3  }
0xc: {  	[smem:$0x3FAC] =	sst s4  }
0xd: {  	[smem:$0x3FAD] =	sst s5  }
0xe: {  	[smem:$0x3FAE] =	sst s6  }
0xf: {  	[smem:$0x3FAF] =	sst s7  }
0x10: {  	[smem:$0x3FB0] =	sst s8  }
0x11: {  	[smem:$0x3FB1] =	sst s9;
	s0 =	simm.s32 @!p0 $0x0  }
0x12: {  	s1 =	sld [smem:$0x3F97];
	s0 =	simm.s32 @p0 $0x1  }
0x13: {  	[smem:$0x3FB2] =	sst s0;
	s0 =	simm.s32 @!p1 $0x0  }
0x14: {  	s2 =	sld [smem:$0x3F96];
	s0 =	simm.s32 @p1 $0x1  }
0x15: {  	[smem:$0x3FB3] =	sst s0;
	s0 =	simm.s32 @!p2 $0x0  }
0x16: {  	s3 =	sld [smem:$0x3FDB];
	s0 =	simm.s32 @p2 $0x1  }
0x17: {  	s4 =	simm.s32 $0x1BF5;
	[smem:$0x3FB5] =	sst s0  }
0x18: {  	s0 =	sld [smem:$0x3F98];
	_ =	swait.ge [sflag:s4], $0x0  }
0x19: {  	s7 =	sld [smem:$0x3F99]  }
0x1a: {  	s8 =	sadd.s32 $0xFFFFE003, lr  }
0x1b: {  	s9 =	sadd.s32 $0xFFFFFEF7, lr;
	s5 =	simm.s32 $0xFFFFFFFF;
	p2 =	slt.u32 s8, $0xFFFFF086  }
0x1c: {  	p1 =	slt.u32 s9, $0xF7A;
	s5 =	simm.s32 @!p2 $0x0  }
0x1d: {  	s5 =	simm.s32 @p1 $0x1;
	p0 =	seq.s32 s7, s2  }
0x1e: {  	s7 =	smul.u32 @!p0 $0xF7A, s2;
	p2 =	seq.s32 @!p0 s5, $0x0  }
0x1f: {  	s9 =	smul.u32 $0xF7A, s1;
	s8 =	simm.s32 @!p0 $0x1BF5;
	p2 =	por !p2, p0  }
0x20: {  	[sflag:s8] =	ssyncset.s32 @!p0 $0xFFFFF086;
	s6 =	sadd.s32 @!p0 s3, s7;
	s7 =	simm.s32 @!p0 $0x108  }
0x21: {  	s3 =	sadd.s32 s3, s9;
	s6 =	sadd.s32 @!p0 $0x88, s6;
	s7 =	simm.s32 @p2 $0x1082  }
0x22: {  	[simem:s7], [sflag:s8] =	dma.local @!p0 [hbm:s6], $0xF7A  }
0x23: {  	s9 =	sor.u32 $0xD0000000, s2;
	s6 =	simm.s32 $0x108;
	_ =	swait.ge @!p0 [sflag:s8], $0x0  }
0x24: {  	s3 =	sadd.s32 $0x88, s3;
	s6 =	simm.s32 @!p1 $0x1082;
	[sflag:s4] =	ssyncset.s32 $0xFFFFF086  }
0x25: {  	[simem:s6], [sflag:s4] =	dma.local [hbm:s3], $0xF7A  }
0x26: {  	[smem:$0x3F99] =	sst s1;
	(tag) =	ssettag s2;
	_ =	strace s9  }
0x27: {  	s1 =	sld [smem:$0x3FA9]  }
0x28: {  	s2 =	sld [smem:$0x3FAA]  }
0x29: {  	s4 =	sld [smem:$0x3FAC]  }
0x2a: {  	p0 =	seq.s32 s5, $0x0;
	s5 =	sld [smem:$0x3FAD]  }
0x2b: {  	s6 =	sld [smem:$0x3FAE]  }
0x2c: {  	s7 =	sld [smem:$0x3FAF]  }
0x2d: {  	s3 =	simm.s32 $0x108;
	s8 =	sld [smem:$0x3FB0]  }
0x2e: {  	s3 =	simm.s32 @!p0 $0x1082;
	s9 =	sld [smem:$0x3FB1]  }
0x2f: {  	lr =	sadd.s32 s0, s3;
	s0 =	sld [smem:$0x3FA8]  }
0x30: {  	s3 =	sld [smem:$0x3FAB]  }
0x31: {  	[smem:$0x3FB4] =	sst s10  }
0x32: {  	s10 =	sld [smem:$0x3FB2];
	_ =	sdelay $0x3  }
0x33: {  	p0 =	seq.s32 s10, $0x1;
	s10 =	sld [smem:$0x3FB4];
	_ =	sdelay $0x3  }
0x34: {  	[smem:$0x3FB4] =	sst s10  }
0x35: {  	s10 =	sld [smem:$0x3FB3];
	_ =	sdelay $0x3  }
0x36: {  	p1 =	seq.s32 s10, $0x1;
	s10 =	sld [smem:$0x3FB4];
	_ =	sdelay $0x3  }
0x37: {  	[smem:$0x3FB4] =	sst s10  }
0x38: {  	s10 =	sld [smem:$0x3FB5]  }
0x39: {  	_ = 	snop;
	(pc) =	sbr.ind lr, $3  }
0x3a: {  	_ = 	snop  }
0x3b: {  	_ = 	snop  }
0x3c: {  	p2 =	seq.s32 s10, $0x1;
	s10 =	sld [smem:$0x3FB4]  }
0x3d: {  	_ =	shalt  }
0x3e: {  	_ =	shalt  }
0x3f: {  	_ =	shalt  }
0x40: {  	_ =	shalt  }
0x41: {  	_ =	shalt  }
0x42: {  	_ =	shalt  }
0x43: {  	_ =	shalt  }
0x44: {  	_ =	shalt  }
0x45: {  	_ =	shalt  }
0x46: {  	_ =	shalt  }
0x47: {  	_ =	shalt  }
0x48: {  	_ =	shalt  }
0x49: {  	_ =	shalt  }
0x4a: {  	_ =	shalt  }
0x4b: {  	_ =	shalt  }
0x4c: {  	_ =	shalt  }
0x4d: {  	_ =	shalt  }
0x4e: {  	_ =	shalt  }
0x4f: {  	_ =	shalt  }
0x50: {  	_ =	shalt  }
0x51: {  	_ =	shalt  }
0x52: {  	_ =	shalt  }
0x53: {  	_ =	shalt  }
0x54: {  	_ =	shalt  }
0x55: {  	_ =	shalt  }
0x56: {  	_ =	shalt  }
0x57: {  	_ =	shalt  }
0x58: {  	_ =	shalt  }
0x59: {  	_ =	shalt  }
0x5a: {  	_ =	shalt  }
0x5b: {  	_ =	shalt  }
0x5c: {  	_ =	shalt  }
0x5d: {  	_ =	shalt  }
0x5e: {  	_ =	shalt  }
0x5f: {  	_ =	shalt  }
0x60: {  	_ =	shalt  }
0x61: {  	_ =	shalt  }
0x62: {  	_ =	shalt  }
0x63: {  	_ =	shalt  }
0x64: {  	_ =	shalt  }
0x65: {  	_ =	shalt  }
0x66: {  	_ =	shalt  }
0x67: {  	_ =	shalt  }
0x68: {  	_ =	shalt  }
0x69: {  	_ =	shalt  }
0x6a: {  	_ =	shalt  }
0x6b: {  	_ =	shalt  }
0x6c: {  	_ =	shalt  }
0x6d: {  	_ =	shalt  }
0x6e: {  	_ =	shalt  }
0x6f: {  	_ =	shalt  }
0x70: {  	_ =	shalt  }
0x71: {  	_ =	shalt  }
0x72: {  	_ =	shalt  }
0x73: {  	_ =	shalt  }
0x74: {  	_ =	shalt  }
0x75: {  	_ =	shalt  }
0x76: {  	_ =	shalt  }
0x77: {  	_ =	shalt  }
0x78: {  	_ =	shalt  }
0x79: {  	_ =	shalt  }
0x7a: {  	_ =	shalt  }
0x7b: {  	_ =	shalt  }
0x7c: {  	_ =	shalt  }
0x7d: {  	_ =	shalt  }
0x7e: {  	_ =	shalt  }
0x7f: {  	_ =	shalt  }
0x80: {  	_ =	shalt  }
0x81: {  	_ =	shalt  }
0x82: {  	_ =	shalt  }
0x83: {  	_ =	shalt  }
0x84: {  	_ =	shalt  }
0x85: {  	_ =	shalt  }
0x86: {  	_ =	shalt  }
0x87: {  	_ =	shalt  }
.Lfunc_end0:
.L_simem_size_0:
called_computation_lowered:
.L_overlay_start_0:
0x88: {  	s2 =	sld [smem:$0x3FD9]  }
0x89: {  	s3 =	sld [smem:$0x3FFE];
	_ =	sdelay $0x1  }
0x8a: {  	s1 =	srdreg.scid  }
0x8b: {  	s0 =	sand.u32 $0x1, s1  }
0x8c: {  	s17 =	sshll.u32 s0, $0xA;
	s2 =	sadd.s32 s3, s2  }
0x8d: {  	s2 =	sadd.s32 s2, s17  }
0x8e: {  	[smem:$0x3FC0] =	sst s2  }
0x8f: {  	_ = 	snop  }
0x90: {  	s2 =	sld [smem:$0x3FC9]  }
0x91: {  	s18 =	sld [smem:$0x3FC8]  }
0x92: {  	s4 =	sld [smem:$0x3FC7]  }
0x93: {  	s5 =	sld [smem:$0x3FC6]  }
0x94: {  	s6 =	sld [smem:$0x3FD0];
	(tm) =	ssettm $0x1  }
0x95: {  	s7 =	sld [smem:$0x3FFB];
	_ =	sdelay $0x3  }
0x96: {  	_ =	strace s7  }
0x97: {  	s7 =	sld [smem:$0x3FFC];
	_ =	sdelay $0x3  }
0x98: {  	_ =	strace s7  }
0x99: {  	s7 =	sld [smem:$0x3FFD];
	_ =	sdelay $0x3  }
0x9a: {  	_ =	strace s7  }
0x9b: {  	_ =	strace $0x8FFFFFFF  }
0x9c: {  	s19 =	sld [smem:$0x3FDB];
	_ =	sdelay $0x1  }
0x9d: {  	s8 =	simm.s32 $_scs_section_size  }
0x9e: {  	s9 =	simm.s32 $_size__tile_overlayer_lowered;
	s10 =	simm.s32 $_tile_overlayer_lowered  }
0x9f: {  	s22 =	simm.s32 $0x1BFF;
	s21 =	sshll.u32 s10, $0x1;
	s7 =	sadd.s32 s8, s19  }
0xa0: {  	s11 =	simm.s32 $0x0;
	s20 =	sshll.u32 s9, $0x1;
	s9 =	sadd.s32 s21, s7  }
0xa1: {  	[timem:s11], [sflag:s22] =	dma.local [hbm:s9], s20  }
0xa2: {  	_ =	swait.ge [sflag:s22], s20  }
0xa3: {  	s8 =	ssub.s32 $0x0, s20;
	[sflag:s22] =	ssyncset.done $0x0  }
0xa4: {  	[sflag:s22] =	ssyncadd.s32 s8;
	_ =	sdelay $0x1  }
0xa5: {  	s23 =	simm.s32 $0x1B8B  }
0xa6: {  	_ =	swait.ge [sflag:s23], $0x1  }
0xa7: {  	[sflag:s23] =	ssyncset.done $0x0  }
0xa8: {  	s25 =	simm.s32 $0x1B8E;
	s24 =	sld [smem:$0x3FFE];
	[sflag:s23] =	ssyncadd.s32 $0xFFFFFFFF  }
0xa9: {  	s26 =	simm.s32 $execute0_lowered;
	[smem:$0x3FD2] =	sst s25  }
0xaa: {  	s9 =	sshll.u32 s26, $0x1;
	_ =	strace $0x80000046;
	[dreg:$0x1] =	wrdreg $0xFFFFFFFF  }
0xab: {  	s28 =	simm.s32 $_size_execute0_lowered;
	s7 =	sadd.s32 s7, s9;
	[dreg:$0x0] =	wrdreg $0x0  }
0xac: {  	s9 =	sshll.u32 s28, $0x1;
	[dreg:$0x2] =	wrdreg s7  }
0xad: {  	[dreg:$0x3] =	wrdreg s9  }
0xae: {  	[dreg:$0x4] =	wrdreg $0xC0  }
0xaf: {  	_ =	task [dreg:s11], $0x5FFFF  }
0xb0: {  	[dreg:$0x1] =	wrdreg $0xFFFFFFFF  }
0xb1: {  	[dreg:$0x0] =	wrdreg $0x60  }
0xb2: {  	[dreg:$0x2] =	wrdreg s2  }
0xb3: {  	[dreg:$0x3] =	wrdreg s18  }
0xb4: {  	[dreg:$0x4] =	wrdreg s4  }
0xb5: {  	[dreg:$0x5] =	wrdreg s5  }
0xb6: {  	[dreg:$0x6] =	wrdreg s24  }
0xb7: {  	[dreg:$0x7] =	wrdreg s6  }
0xb8: {  	[dreg:$0x8] =	wrdreg $0x9  }
0xb9: {  	_ =	task.clear_ibuf [dreg:s11], $0x9FFFF;
	_ =	strace $0x90000046  }
0xba: {  	s29 =	simm.s32 $0x9;
	_ =	strace $0x80000048  }
0xbb: {  	_ =	swait.ge [sflag:s29], $0x1  }
0xbc: {  	[sflag:s29] =	ssyncadd.s32 $0xFFFFFFFF  }
0xbd: {  	_ =	strace $0x90000048  }
0xbe: {  	_ =	sfence  }
0xbf: {  	s30 =	sld [smem:$0x0];
	_ =	sdelay $0x2  }
0xc0: {  	s31 =	sshll.u32 s1, $0xD;
	s1 =	sshrl.u32 s1, $0x2  }
0xc1: {  	s3 =	sand.u32 $0x4000, s31;
	s1 =	sadd.s32 s1, s30  }
0xc2: {  	s0 =	sor.u32 s3, s0;
	s1 =	sshll.u32 s1, $0x11  }
0xc3: {  	s0 =	sor.u32 s1, s0  }
0xc4: {  	s0 =	sadd.s32 $0x8F2B, s0  }
0xc5: {  	[sflag:s0] =	ssyncadd.remote.s32 $0x1  }
0xc6: {  	_ =	sfence.sel $0xFFFF  }
0xc7: {  	[dreg:$0x0] =	wrdreg $0xFFFFFFFF;
	(pc) =	sbr.abs _section_cstart, $3  }
0xc8: {  	[dreg:$0x1] =	wrdreg $0xFFFFFFFF  }
0xc9: {  	_ =	task.clear_ibuf [dreg:s11], $0x2FFFF;
	_ =	strace $0x9FFFFFFF  }
0xca: {  	(tm) =	ssettm $0x7FFFFFFF  }
0xcb: {  	_ =	shalt  }
tec
execute0_lowered:
.L_overlay_start_1:
0x0: {  	(tag) =	ssettag $0x1  }
0x1: {  	s12 =	rddreg [dreg:$0x0]  }
0x2: {  	s13 =	rddreg [dreg:$0x1]  }
0x3: {  	s14 =	rddreg [dreg:$0x2]  }
0x4: {  	s15 =	rddreg [dreg:$0x3]  }
0x5: {  	s6 =	rddreg [dreg:$0x4]  }
0x6: {  	s16 =	rddreg [dreg:$0x5]  }
0x7: {  	s0 =	rddreg [dreg:$0x6]  }
0x8: {  	s2 =	simm.s32 $0x0;
	s3 =	srdreg.scid;
	s1 =	stileid.u32  }
0x9: {  	s20 =	simm.s32 $0x200;
	s21 =	simm.s32 $0x300;
	s22 =	simm.s32 $0x400  }
0xa: {  	s23 =	simm.s32 $0x4400;
	s24 =	simm.s32 $0x8400;
	s25 =	simm.s32 $0xC400  }
0xb: {  	s26 =	simm.s32 $0x1;
	s28 =	simm.s32 $0x0;
	[smem:$0x7FF] =	sst s2  }
0xc: {  	s5 =	sand.u32 $0x1, s3;
	s3 =	sadd.s32 $0x400, s6;
	s7 =	sshll.u32 s1, $0xA  }
0xd: {  	s4 =	sadd.s32 $0xE0400, s6;
	_ =	strace $0x80000047;
	s8 =	sshll.u32 s5, $0x9  }
0xe: {  	s9 =	ssub.s32 $0x2, s5;
	s5 =	sadd.s32 $0x1C0400, s6;
	s11 =	sor.u32 s8, s7  }
0xf: {  	s6 =	sadd.s32 $0x2A0400, s6;
	s31 =	sshrl.u32 s9, $0x1;
	s10 =	sshrl.u32 s11, $0x3  }
0x10: {  	s17 =	ssub.s32 s9, s31;
	s18 =	sor.u32 $0x100, s11;
	s11 =	sshll.u32 s11, $0x3  }
0x11: {  	s7 =	sadd.s32 s12, s10;
	s8 =	sadd.s32 s13, s10;
	s9 =	sadd.s32 s14, s10  }
0x12: {  	s10 =	sadd.s32 s15, s10;
	s19 =	sshrl.u32 s18, $0x3;
	s11 =	sadd.s32 s16, s11  }
0x13: {  	s18 =	sshll.u32 s18, $0x3;
	s17 =	smax.u32 s17, $0x1;
	s12 =	sadd.s32 s12, s19  }
0x14: {  	s13 =	sadd.s32 s13, s19;
	s14 =	sadd.s32 s14, s19;
	s15 =	sadd.s32 s15, s19  }
0x15: {  	s16 =	sadd.s32 s16, s18;
	s18 =	simm.s32 $0x2;
	s19 =	simm.s32 $0x100  }
.LBB2_1:
0x16: {  	[tilespmem:s2], [sflag:$0x2] =	stream.linear.gather [hbm4b:s7+s2], $0x100, $0x38;
	[tilespmem:$0x10400] =	vst v63  }
0x17: {  	_ =	swait.ge [sflag:s18], $0x100  }
0x18: {  	[sflag:s18] =	ssyncset.done $0x0  }
0x19: {  	s29 =	simm.s32 $0x0;
	s30 =	simm.s32 $0x40;
	[sflag:s18] =	ssyncadd.s32 $0xFFFFFF00  }
.LBB2_2:
0x1a: {  	p0 =	sne.s32 s30, $0x3C0;
	v0 =	vld [tilespmem:s29+$0x0];
	_ =	sdelay $0x4  }
0x1b: {  	v1 =	vand.u32 $0x3FFF, v0  }
.Ltmp0:
0x1c: {  	v2 =	vshll.u32 v1, $0x1;
	(pc) =	sbr.rel @p0 .LBB2_2-.Ltmp0, $4  }
0x1d: {  	vm0 =	vlt.u32 v1, $0x2000;
	v1 =	vadd.s32 $0xFFFFC001, v2  }
0x1e: {  	v0 =	vand.u32 $0xFFFFC000, v0;
	v1 =	vsel vm0, v2, v1  }
0x1f: {  	v0 =	vadd.s32 v0, v1  }
0x20: {  	[tilespmem:s29+$0x0] =	vst v0;
	s29 =	sshra.s32 s30, $0x2;
	s30 =	sadd.s32 $0x40, s30  }
0x21: {  	v0 =	vld [tilespmem:s29+$0x0];
	_ =	sdelay $0x4  }
0x22: {  	v1 =	vand.u32 $0x3FFF, v0  }
0x23: {  	v2 =	vshll.u32 v1, $0x1  }
0x24: {  	vm0 =	vlt.u32 v1, $0x2000;
	v63 =	vadd.s32 $0xFFFFC001, v2  }
0x25: {  	v0 =	vand.u32 $0xFFFFC000, v0;
	v1 =	vsel vm0, v2, v63  }
0x26: {  	v0 =	vadd.s32 v0, v1  }
0x27: {  	[tilespmem:s29+$0x0] =	vst v0;
	s29 =	simm.s32 $0x0  }
0x28: {  	[tilespmem:s19], [sflag:$0x2] =	stream.linear.gather [hbm4b:s8+s29], $0x100, $0x38;
	[tilespmem:$0x10400] =	vst v63  }
0x29: {  	_ =	swait.ge [sflag:s18], $0x100  }
0x2a: {  	[sflag:s18] =	ssyncset.done $0x0  }
0x2b: {  	s30 =	simm.s32 $0x40;
	s29 =	simm.s32 $0x0;
	[sflag:s18] =	ssyncadd.s32 $0xFFFFFF00  }
.LBB2_4:
0x2c: {  	p0 =	sne.s32 s30, $0x3C0;
	v0 =	vld [tilespmem:s29+$0x100];
	_ =	sdelay $0x4  }
0x2d: {  	v1 =	vand.u32 $0x3FFF, v0  }
.Ltmp1:
0x2e: {  	v2 =	vshll.u32 v1, $0x1;
	(pc) =	sbr.rel @p0 .LBB2_4-.Ltmp1, $4  }
0x2f: {  	vm0 =	vlt.u32 v1, $0x2000;
	v1 =	vadd.s32 $0xFFFFC001, v2  }
0x30: {  	v0 =	vand.u32 $0xFFFFC000, v0;
	v1 =	vsel vm0, v2, v1  }
0x31: {  	v0 =	vadd.s32 v0, v1  }
0x32: {  	[tilespmem:s29+$0x100] =	vst v0;
	s29 =	sshra.s32 s30, $0x2;
	s30 =	sadd.s32 $0x40, s30  }
0x33: {  	v0 =	vld [tilespmem:s29+$0x100];
	_ =	sdelay $0x4  }
0x34: {  	v1 =	vand.u32 $0x3FFF, v0  }
0x35: {  	v2 =	vshll.u32 v1, $0x1  }
0x36: {  	vm0 =	vlt.u32 v1, $0x2000;
	v63 =	vadd.s32 $0xFFFFC001, v2  }
0x37: {  	v0 =	vand.u32 $0xFFFFC000, v0;
	v1 =	vsel vm0, v2, v63  }
0x38: {  	v0 =	vadd.s32 v0, v1  }
0x39: {  	[tilespmem:s29+$0x100] =	vst v0;
	s29 =	simm.s32 $0x0  }
0x3a: {  	[tilespmem:s20], [sflag:$0x2] =	stream.linear.gather [hbm4b:s9+s29], $0x100, $0x38;
	[tilespmem:$0x10400] =	vst v63  }
0x3b: {  	_ =	swait.ge [sflag:s18], $0x100  }
0x3c: {  	[sflag:s18] =	ssyncset.done $0x0  }
0x3d: {  	s30 =	simm.s32 $0x40;
	s29 =	simm.s32 $0x0;
	[sflag:s18] =	ssyncadd.s32 $0xFFFFFF00  }
.LBB2_6:
0x3e: {  	p0 =	sne.s32 s30, $0x3C0;
	v0 =	vld [tilespmem:s29+$0x200];
	_ =	sdelay $0x4  }
0x3f: {  	v1 =	vand.u32 $0x3FFF, v0  }
.Ltmp2:
0x40: {  	v2 =	vshll.u32 v1, $0x1;
	(pc) =	sbr.rel @p0 .LBB2_6-.Ltmp2, $4  }
0x41: {  	vm0 =	vlt.u32 v1, $0x2000;
	v1 =	vadd.s32 $0xFFFFC001, v2  }
0x42: {  	v0 =	vand.u32 $0xFFFFC000, v0;
	v1 =	vsel vm0, v2, v1  }
0x43: {  	v0 =	vadd.s32 v0, v1  }
0x44: {  	[tilespmem:s29+$0x200] =	vst v0;
	s29 =	sshra.s32 s30, $0x2;
	s30 =	sadd.s32 $0x40, s30  }
0x45: {  	v0 =	vld [tilespmem:s29+$0x200];
	_ =	sdelay $0x4  }
0x46: {  	v1 =	vand.u32 $0x3FFF, v0  }
0x47: {  	v2 =	vshll.u32 v1, $0x1  }
0x48: {  	vm0 =	vlt.u32 v1, $0x2000;
	v63 =	vadd.s32 $0xFFFFC001, v2  }
0x49: {  	v0 =	vand.u32 $0xFFFFC000, v0;
	v1 =	vsel vm0, v2, v63  }
0x4a: {  	v0 =	vadd.s32 v0, v1  }
0x4b: {  	[tilespmem:s29+$0x200] =	vst v0;
	s29 =	simm.s32 $0x0  }
0x4c: {  	[tilespmem:s21], [sflag:$0x2] =	stream.linear.gather [hbm4b:s10+s29], $0x100, $0x38;
	[tilespmem:$0x10400] =	vst v63  }
0x4d: {  	_ =	swait.ge [sflag:s18], $0x100  }
0x4e: {  	[sflag:s18] =	ssyncset.done $0x0  }
0x4f: {  	s30 =	simm.s32 $0x40;
	s29 =	simm.s32 $0x0;
	[sflag:s18] =	ssyncadd.s32 $0xFFFFFF00  }
.LBB2_8:
0x50: {  	p0 =	sne.s32 s30, $0x3C0;
	v0 =	vld [tilespmem:s29+$0x300];
	_ =	sdelay $0x4  }
0x51: {  	v1 =	vand.u32 $0x3FFF, v0  }
.Ltmp3:
0x52: {  	v2 =	vshll.u32 v1, $0x1;
	(pc) =	sbr.rel @p0 .LBB2_8-.Ltmp3, $4  }
0x53: {  	vm0 =	vlt.u32 v1, $0x2000;
	v1 =	vadd.s32 $0xFFFFC001, v2  }
0x54: {  	v0 =	vand.u32 $0xFFFFC000, v0;
	v1 =	vsel vm0, v2, v1  }
0x55: {  	v0 =	vadd.s32 v0, v1  }
0x56: {  	[tilespmem:s29+$0x300] =	vst v0;
	s29 =	sshra.s32 s30, $0x2;
	s30 =	sadd.s32 $0x40, s30  }
0x57: {  	v0 =	vld [tilespmem:s29+$0x300];
	_ =	sdelay $0x4  }
0x58: {  	v1 =	vand.u32 $0x3FFF, v0  }
0x59: {  	v2 =	vshll.u32 v1, $0x1  }
0x5a: {  	vm0 =	vlt.u32 v1, $0x2000;
	v1 =	vadd.s32 $0xFFFFC001, v2  }
0x5b: {  	v0 =	vand.u32 $0xFFFFC000, v0;
	v1 =	vsel vm0, v2, v1  }
0x5c: {  	v0 =	vadd.s32 v0, v1  }
0x5d: {  	[tilespmem:s29+$0x300] =	vst v0;
	s29 =	simm.s32 $0x0  }
0x5e: {  	[tilespmem:s22], [sflag:$0x1] =	stream.indirect.gather [hbm4b:s3+s19], $0x40, s29, s19, $0xb8;
	[tilespmem:$0x10400] =	vst v63  }
0x5f: {  	_ = 	snop  }
0x60: {  	[tilespmem:s23], [sflag:$0x1] =	stream.indirect.gather [hbm4b:s4+s19], $0x40, s19, s19, $0xb8;
	[tilespmem:$0x10400] =	vst v63  }
0x61: {  	_ = 	snop  }
0x62: {  	[tilespmem:s24], [sflag:$0x1] =	stream.indirect.gather [hbm4b:s5+s19], $0x40, s20, s19, $0xb8;
	[tilespmem:$0x10400] =	vst v63  }
0x63: {  	_ = 	snop  }
0x64: {  	[tilespmem:s25], [sflag:$0x1] =	stream.indirect.gather [hbm4b:s6+s19], $0x40, s21, s19, $0xb8;
	[tilespmem:$0x10400] =	vst v63  }
0x65: {  	_ =	swait.ge [sflag:s26], $0x4000  }
0x66: {  	[sflag:s26] =	ssyncset.done $0x0  }
0x67: {  	[sflag:s26] =	ssyncadd.s32 $0xFFFFC000  }
0x68: {  	_ =	swait.ge [sflag:s26], $0x4000  }
0x69: {  	[sflag:s26] =	ssyncset.done $0x0  }
0x6a: {  	[sflag:s26] =	ssyncadd.s32 $0xFFFFC000  }
0x6b: {  	_ =	swait.ge [sflag:s26], $0x4000  }
0x6c: {  	[sflag:s26] =	ssyncset.done $0x0  }
0x6d: {  	[sflag:s26] =	ssyncadd.s32 $0xFFFFC000  }
0x6e: {  	_ =	swait.ge [sflag:s26], $0x4000  }
0x6f: {  	[sflag:s26] =	ssyncset.done $0x0  }
0x70: {  	s29 =	simm.s32 $0x0;
	[sflag:s26] =	ssyncadd.s32 $0xFFFFC000  }
0x71: {  	v2 =	vld [tilespmem:s29+$0xC400]  }
0x72: {  	v0 =	vld [tilespmem:s29+$0xC410]  }
0x73: {  	v3 =	vld [tilespmem:s29+$0x8400]  }
0x74: {  	v1 =	vld [tilespmem:s29+$0x8410]  }
0x75: {  	v6 =	vld [tilespmem:s29+$0x4400]  }
0x76: {  	v7 =	vld [tilespmem:s29+$0x4410]  }
0x77: {  	v5 =	vld [tilespmem:s29+$0x4420]  }
0x78: {  	v4 =	vld [tilespmem:s29+$0x4430]  }
0x79: {  	v10 =	vld [tilespmem:s29+$0x400]  }
0x7a: {  	v9 =	vld [tilespmem:s29+$0x410]  }
0x7b: {  	s30 =	simm.s32 $0x100;
	v8 =	vld [tilespmem:s29+$0x420]  }
.LBB2_10:
0x7c: {  	p0 =	sne.s32 s30, $0xFF00;
	v11 =	vld [tilespmem:s29+$0x430]  }
0x7d: {  	v12 =	vld [tilespmem:s29+$0x8420]  }
0x7e: {  	v6 =	vadd.f32 v6, v10;
	v10 =	vld [tilespmem:s29+$0x8430]  }
0x7f: {  	v7 =	vadd.f32 v7, v9;
	v9 =	vld [tilespmem:s29+$0xC420]  }
0x80: {  	s31 =	sshra.s32 s30, $0x2;
	v3 =	vadd.f32 v3, v6;
	v5 =	vadd.f32 v5, v8;
	v8 =	vld [tilespmem:s29+$0xC430]  }
0x81: {  	v13 =	vld [tilespmem:s31+$0xC400];
	v1 =	vadd.f32 v1, v7;
	v4 =	vadd.f32 v4, v11  }
0x82: {  	v11 =	vld [tilespmem:s31+$0xC410];
	v2 =	vadd.f32 v2, v3;
	v5 =	vadd.f32 v12, v5  }
0x83: {  	v3 =	vld [tilespmem:s31+$0x8400];
	v0 =	vadd.f32 v0, v1;
	v4 =	vadd.f32 v10, v4  }
0x84: {  	v1 =	vld [tilespmem:s31+$0x8410];
	[tilespmem:s29+$0x400] =	vst v2;
	v5 =	vadd.f32 v9, v5  }
0x85: {  	v6 =	vld [tilespmem:s31+$0x4400];
	[tilespmem:s29+$0x410] =	vst v0;
	v4 =	vadd.f32 v8, v4  }
0x86: {  	v7 =	vld [tilespmem:s31+$0x4410];
	[tilespmem:s29+$0x420] =	vst v5;
	v2 =	vmov v13  }
.Ltmp4:
0x87: {  	v5 =	vld [tilespmem:s31+$0x4420];
	[tilespmem:s29+$0x430] =	vst v4;
	v0 =	vmov v11;
	s29 =	smov.u32 s31;
	(pc) =	sbr.rel @p0 .LBB2_10-.Ltmp4, $4  }
0x88: {  	v4 =	vld [tilespmem:s29+$0x4430]  }
0x89: {  	v10 =	vld [tilespmem:s29+$0x400]  }
0x8a: {  	v9 =	vld [tilespmem:s29+$0x410]  }
0x8b: {  	s30 =	sadd.s32 $0x100, s30;
	v8 =	vld [tilespmem:s29+$0x420]  }
0x8c: {  	v11 =	vld [tilespmem:s29+$0x430]  }
0x8d: {  	v12 =	vld [tilespmem:s29+$0x8420]  }
0x8e: {  	v57 =	vld [tilespmem:s29+$0x8430];
	v6 =	vadd.f32 v6, v10  }
0x8f: {  	v58 =	vld [tilespmem:s29+$0xC420];
	v7 =	vadd.f32 v7, v9  }
0x90: {  	v59 =	vld [tilespmem:s29+$0xC430];
	v3 =	vadd.f32 v3, v6;
	v5 =	vadd.f32 v5, v8  }
0x91: {  	v1 =	vadd.f32 v1, v7;
	v4 =	vadd.f32 v4, v11  }
0x92: {  	v2 =	vadd.f32 v2, v3;
	v60 =	vadd.f32 v12, v5  }
0x93: {  	v0 =	vadd.f32 v0, v1;
	v61 =	vadd.f32 v57, v4  }
0x94: {  	[tilespmem:s29+$0x400] =	vst v2;
	v62 =	vadd.f32 v58, v60  }
0x95: {  	[tilespmem:s29+$0x410] =	vst v0;
	v63 =	vadd.f32 v59, v61  }
0x96: {  	[tilespmem:s29+$0x420] =	vst v62  }
0x97: {  	[tilespmem:s29+$0x430] =	vst v63;
	s29 =	simm.s32 $0x0  }
0x98: {  	[hbm4b:s11+s29] =	stream.linear.scatter [tilespmem:s22], [sflag:$0x2], $0x4000, $0x38;
	[tilespmem:$0x10400] =	vst v63  }
0x99: {  	_ =	swait.ge [sflag:s18], $0x4000  }
0x9a: {  	[sflag:s18] =	ssyncset.done $0x0  }
0x9b: {  	[sflag:s18] =	ssyncadd.s32 $0xFFFFC000  }
0x9c: {  	[tilespmem:s29], [sflag:$0x2] =	stream.linear.gather [hbm4b:s12+s29], $0x100, $0x38;
	[tilespmem:$0x10400] =	vst v63  }
0x9d: {  	_ =	swait.ge [sflag:s18], $0x100  }
0x9e: {  	[sflag:s18] =	ssyncset.done $0x0  }
0x9f: {  	s30 =	simm.s32 $0x40;
	s29 =	simm.s32 $0x0;
	[sflag:s18] =	ssyncadd.s32 $0xFFFFFF00  }
.LBB2_12:
0xa0: {  	p0 =	sne.s32 s30, $0x3C0;
	v0 =	vld [tilespmem:s29+$0x0];
	_ =	sdelay $0x4  }
0xa1: {  	v1 =	vand.u32 $0x3FFF, v0  }
.Ltmp5:
0xa2: {  	v2 =	vshll.u32 v1, $0x1;
	(pc) =	sbr.rel @p0 .LBB2_12-.Ltmp5, $4  }
0xa3: {  	vm0 =	vlt.u32 v1, $0x2000;
	v1 =	vadd.s32 $0xFFFFC001, v2  }
0xa4: {  	v0 =	vand.u32 $0xFFFFC000, v0;
	v1 =	vsel vm0, v2, v1  }
0xa5: {  	v0 =	vadd.s32 v0, v1  }
0xa6: {  	[tilespmem:s29+$0x0] =	vst v0;
	s29 =	sshra.s32 s30, $0x2;
	s30 =	sadd.s32 $0x40, s30  }
0xa7: {  	v0 =	vld [tilespmem:s29+$0x0];
	_ =	sdelay $0x4  }
0xa8: {  	v1 =	vand.u32 $0x3FFF, v0  }
0xa9: {  	v2 =	vshll.u32 v1, $0x1  }
0xaa: {  	vm0 =	vlt.u32 v1, $0x2000;
	v63 =	vadd.s32 $0xFFFFC001, v2  }
0xab: {  	v0 =	vand.u32 $0xFFFFC000, v0;
	v1 =	vsel vm0, v2, v63  }
0xac: {  	v0 =	vadd.s32 v0, v1  }
0xad: {  	[tilespmem:s29+$0x0] =	vst v0;
	s29 =	simm.s32 $0x0  }
0xae: {  	[tilespmem:s19], [sflag:$0x2] =	stream.linear.gather [hbm4b:s13+s29], $0x100, $0x38;
	[tilespmem:$0x10400] =	vst v63  }
0xaf: {  	_ =	swait.ge [sflag:s18], $0x100  }
0xb0: {  	[sflag:s18] =	ssyncset.done $0x0  }
0xb1: {  	s30 =	simm.s32 $0x40;
	s29 =	simm.s32 $0x0;
	[sflag:s18] =	ssyncadd.s32 $0xFFFFFF00  }
.LBB2_14:
0xb2: {  	p0 =	sne.s32 s30, $0x3C0;
	v0 =	vld [tilespmem:s29+$0x100];
	_ =	sdelay $0x4  }
0xb3: {  	v1 =	vand.u32 $0x3FFF, v0  }
.Ltmp6:
0xb4: {  	v2 =	vshll.u32 v1, $0x1;
	(pc) =	sbr.rel @p0 .LBB2_14-.Ltmp6, $4  }
0xb5: {  	vm0 =	vlt.u32 v1, $0x2000;
	v1 =	vadd.s32 $0xFFFFC001, v2  }
0xb6: {  	v0 =	vand.u32 $0xFFFFC000, v0;
	v1 =	vsel vm0, v2, v1  }
0xb7: {  	v0 =	vadd.s32 v0, v1  }
0xb8: {  	[tilespmem:s29+$0x100] =	vst v0;
	s29 =	sshra.s32 s30, $0x2;
	s30 =	sadd.s32 $0x40, s30  }
0xb9: {  	v0 =	vld [tilespmem:s29+$0x100];
	_ =	sdelay $0x4  }
0xba: {  	v1 =	vand.u32 $0x3FFF, v0  }
0xbb: {  	v2 =	vshll.u32 v1, $0x1  }
0xbc: {  	vm0 =	vlt.u32 v1, $0x2000;
	v63 =	vadd.s32 $0xFFFFC001, v2  }
0xbd: {  	v0 =	vand.u32 $0xFFFFC000, v0;
	v1 =	vsel vm0, v2, v63  }
0xbe: {  	v0 =	vadd.s32 v0, v1  }
0xbf: {  	[tilespmem:s29+$0x100] =	vst v0;
	s29 =	simm.s32 $0x0  }
0xc0: {  	[tilespmem:s20], [sflag:$0x2] =	stream.linear.gather [hbm4b:s14+s29], $0x100, $0x38;
	[tilespmem:$0x10400] =	vst v63  }
0xc1: {  	_ =	swait.ge [sflag:s18], $0x100  }
0xc2: {  	[sflag:s18] =	ssyncset.done $0x0  }
0xc3: {  	s30 =	simm.s32 $0x40;
	s29 =	simm.s32 $0x0;
	[sflag:s18] =	ssyncadd.s32 $0xFFFFFF00  }
.LBB2_16:
0xc4: {  	p0 =	sne.s32 s30, $0x3C0;
	v0 =	vld [tilespmem:s29+$0x200];
	_ =	sdelay $0x4  }
0xc5: {  	v1 =	vand.u32 $0x3FFF, v0  }
.Ltmp7:
0xc6: {  	v2 =	vshll.u32 v1, $0x1;
	(pc) =	sbr.rel @p0 .LBB2_16-.Ltmp7, $4  }
0xc7: {  	vm0 =	vlt.u32 v1, $0x2000;
	v1 =	vadd.s32 $0xFFFFC001, v2  }
0xc8: {  	v0 =	vand.u32 $0xFFFFC000, v0;
	v1 =	vsel vm0, v2, v1  }
0xc9: {  	v0 =	vadd.s32 v0, v1  }
0xca: {  	[tilespmem:s29+$0x200] =	vst v0;
	s29 =	sshra.s32 s30, $0x2;
	s30 =	sadd.s32 $0x40, s30  }
0xcb: {  	v0 =	vld [tilespmem:s29+$0x200];
	_ =	sdelay $0x4  }
0xcc: {  	v1 =	vand.u32 $0x3FFF, v0  }
0xcd: {  	v2 =	vshll.u32 v1, $0x1  }
0xce: {  	vm0 =	vlt.u32 v1, $0x2000;
	v63 =	vadd.s32 $0xFFFFC001, v2  }
0xcf: {  	v0 =	vand.u32 $0xFFFFC000, v0;
	v1 =	vsel vm0, v2, v63  }
0xd0: {  	v0 =	vadd.s32 v0, v1  }
0xd1: {  	[tilespmem:s29+$0x200] =	vst v0;
	s29 =	simm.s32 $0x0  }
0xd2: {  	[tilespmem:s21], [sflag:$0x2] =	stream.linear.gather [hbm4b:s15+s29], $0x100, $0x38;
	[tilespmem:$0x10400] =	vst v63  }
0xd3: {  	_ =	swait.ge [sflag:s18], $0x100  }
0xd4: {  	[sflag:s18] =	ssyncset.done $0x0  }
0xd5: {  	s30 =	simm.s32 $0x40;
	s29 =	simm.s32 $0x0;
	[sflag:s18] =	ssyncadd.s32 $0xFFFFFF00  }
.LBB2_18:
0xd6: {  	p0 =	sne.s32 s30, $0x3C0;
	v0 =	vld [tilespmem:s29+$0x300];
	_ =	sdelay $0x4  }
0xd7: {  	v1 =	vand.u32 $0x3FFF, v0  }
.Ltmp8:
0xd8: {  	v2 =	vshll.u32 v1, $0x1;
	(pc) =	sbr.rel @p0 .LBB2_18-.Ltmp8, $4  }
0xd9: {  	vm0 =	vlt.u32 v1, $0x2000;
	v1 =	vadd.s32 $0xFFFFC001, v2  }
0xda: {  	v0 =	vand.u32 $0xFFFFC000, v0;
	v1 =	vsel vm0, v2, v1  }
0xdb: {  	v0 =	vadd.s32 v0, v1  }
0xdc: {  	[tilespmem:s29+$0x300] =	vst v0;
	s29 =	sshra.s32 s30, $0x2;
	s30 =	sadd.s32 $0x40, s30  }
0xdd: {  	v0 =	vld [tilespmem:s29+$0x300];
	_ =	sdelay $0x4  }
0xde: {  	v1 =	vand.u32 $0x3FFF, v0  }
0xdf: {  	v2 =	vshll.u32 v1, $0x1  }
0xe0: {  	vm0 =	vlt.u32 v1, $0x2000;
	v1 =	vadd.s32 $0xFFFFC001, v2  }
0xe1: {  	v0 =	vand.u32 $0xFFFFC000, v0;
	v1 =	vsel vm0, v2, v1  }
0xe2: {  	v0 =	vadd.s32 v0, v1  }
0xe3: {  	[tilespmem:s29+$0x300] =	vst v0;
	s29 =	simm.s32 $0x0  }
0xe4: {  	[tilespmem:s22], [sflag:$0x1] =	stream.indirect.gather [hbm4b:s3+s19], $0x40, s29, s19, $0xb8;
	[tilespmem:$0x10400] =	vst v63  }
0xe5: {  	_ = 	snop  }
0xe6: {  	[tilespmem:s23], [sflag:$0x1] =	stream.indirect.gather [hbm4b:s4+s19], $0x40, s19, s19, $0xb8;
	[tilespmem:$0x10400] =	vst v63  }
0xe7: {  	_ = 	snop  }
0xe8: {  	[tilespmem:s24], [sflag:$0x1] =	stream.indirect.gather [hbm4b:s5+s19], $0x40, s20, s19, $0xb8;
	[tilespmem:$0x10400] =	vst v63  }
0xe9: {  	_ = 	snop  }
0xea: {  	[tilespmem:s25], [sflag:$0x1] =	stream.indirect.gather [hbm4b:s6+s19], $0x40, s21, s19, $0xb8;
	[tilespmem:$0x10400] =	vst v63  }
0xeb: {  	_ =	swait.ge [sflag:s26], $0x4000  }
0xec: {  	[sflag:s26] =	ssyncset.done $0x0  }
0xed: {  	[sflag:s26] =	ssyncadd.s32 $0xFFFFC000  }
0xee: {  	_ =	swait.ge [sflag:s26], $0x4000  }
0xef: {  	[sflag:s26] =	ssyncset.done $0x0  }
0xf0: {  	[sflag:s26] =	ssyncadd.s32 $0xFFFFC000  }
0xf1: {  	_ =	swait.ge [sflag:s26], $0x4000  }
0xf2: {  	[sflag:s26] =	ssyncset.done $0x0  }
0xf3: {  	[sflag:s26] =	ssyncadd.s32 $0xFFFFC000  }
0xf4: {  	_ =	swait.ge [sflag:s26], $0x4000  }
0xf5: {  	[sflag:s26] =	ssyncset.done $0x0  }
0xf6: {  	s29 =	simm.s32 $0x0;
	[sflag:s26] =	ssyncadd.s32 $0xFFFFC000  }
0xf7: {  	v2 =	vld [tilespmem:s29+$0xC400]  }
0xf8: {  	v0 =	vld [tilespmem:s29+$0xC410]  }
0xf9: {  	v3 =	vld [tilespmem:s29+$0x8400]  }
0xfa: {  	v1 =	vld [tilespmem:s29+$0x8410]  }
0xfb: {  	v6 =	vld [tilespmem:s29+$0x4400]  }
0xfc: {  	v7 =	vld [tilespmem:s29+$0x4410]  }
0xfd: {  	v5 =	vld [tilespmem:s29+$0x4420]  }
0xfe: {  	v4 =	vld [tilespmem:s29+$0x4430]  }
0xff: {  	v10 =	vld [tilespmem:s29+$0x400]  }
0x100: {  	v9 =	vld [tilespmem:s29+$0x410]  }
0x101: {  	s30 =	simm.s32 $0x100;
	v8 =	vld [tilespmem:s29+$0x420]  }
.LBB2_20:
0x102: {  	p0 =	sne.s32 s30, $0xFF00;
	v11 =	vld [tilespmem:s29+$0x430]  }
0x103: {  	v12 =	vld [tilespmem:s29+$0x8420]  }
0x104: {  	v6 =	vadd.f32 v6, v10;
	v10 =	vld [tilespmem:s29+$0x8430]  }
0x105: {  	v7 =	vadd.f32 v7, v9;
	v9 =	vld [tilespmem:s29+$0xC420]  }
0x106: {  	s31 =	sshra.s32 s30, $0x2;
	v3 =	vadd.f32 v3, v6;
	v5 =	vadd.f32 v5, v8;
	v8 =	vld [tilespmem:s29+$0xC430]  }
0x107: {  	v13 =	vld [tilespmem:s31+$0xC400];
	v1 =	vadd.f32 v1, v7;
	v4 =	vadd.f32 v4, v11  }
0x108: {  	v11 =	vld [tilespmem:s31+$0xC410];
	v2 =	vadd.f32 v2, v3;
	v5 =	vadd.f32 v12, v5  }
0x109: {  	v3 =	vld [tilespmem:s31+$0x8400];
	v0 =	vadd.f32 v0, v1;
	v4 =	vadd.f32 v10, v4  }
0x10a: {  	v1 =	vld [tilespmem:s31+$0x8410];
	[tilespmem:s29+$0x400] =	vst v2;
	v5 =	vadd.f32 v9, v5  }
0x10b: {  	v6 =	vld [tilespmem:s31+$0x4400];
	[tilespmem:s29+$0x410] =	vst v0;
	v4 =	vadd.f32 v8, v4  }
0x10c: {  	v7 =	vld [tilespmem:s31+$0x4410];
	[tilespmem:s29+$0x420] =	vst v5;
	v2 =	vmov v13  }
.Ltmp9:
0x10d: {  	v5 =	vld [tilespmem:s31+$0x4420];
	[tilespmem:s29+$0x430] =	vst v4;
	v0 =	vmov v11;
	s29 =	smov.u32 s31;
	(pc) =	sbr.rel @p0 .LBB2_20-.Ltmp9, $4  }
0x10e: {  	v4 =	vld [tilespmem:s29+$0x4430]  }
0x10f: {  	v10 =	vld [tilespmem:s29+$0x400]  }
0x110: {  	v9 =	vld [tilespmem:s29+$0x410]  }
0x111: {  	s30 =	sadd.s32 $0x100, s30;
	v8 =	vld [tilespmem:s29+$0x420]  }
0x112: {  	v11 =	vld [tilespmem:s29+$0x430]  }
0x113: {  	v12 =	vld [tilespmem:s29+$0x8420]  }
0x114: {  	v57 =	vld [tilespmem:s29+$0x8430];
	v6 =	vadd.f32 v6, v10  }
0x115: {  	v58 =	vld [tilespmem:s29+$0xC420];
	v7 =	vadd.f32 v7, v9  }
0x116: {  	v59 =	vld [tilespmem:s29+$0xC430];
	v3 =	vadd.f32 v3, v6;
	v5 =	vadd.f32 v5, v8  }
0x117: {  	v1 =	vadd.f32 v1, v7;
	v4 =	vadd.f32 v4, v11  }
0x118: {  	v2 =	vadd.f32 v2, v3;
	v60 =	vadd.f32 v12, v5  }
0x119: {  	v0 =	vadd.f32 v0, v1;
	v61 =	vadd.f32 v57, v4  }
0x11a: {  	[tilespmem:s29+$0x400] =	vst v2;
	v62 =	vadd.f32 v58, v60  }
0x11b: {  	s28 =	sadd.s32 $0x1, s28;
	[tilespmem:s29+$0x410] =	vst v0;
	v63 =	vadd.f32 v59, v61  }
0x11c: {  	p0 =	sne.s32 s28, s17;
	[tilespmem:s29+$0x420] =	vst v62  }
.Ltmp10:
0x11d: {  	[tilespmem:s29+$0x430] =	vst v63;
	(pc) =	sbr.rel @p0 .LBB2_1-.Ltmp10, $4  }
0x11e: {  	[hbm4b:s16+s2] =	stream.linear.scatter [tilespmem:s22], [sflag:$0x2], $0x4000, $0x38;
	[tilespmem:$0x10400] =	vst v63  }
0x11f: {  	_ =	swait.ge [sflag:s18], $0x4000  }
0x120: {  	[sflag:s18] =	ssyncset.done $0x0  }
0x121: {  	[sflag:s18] =	ssyncadd.s32 $0xFFFFC000  }
0x122: {  	_ =	sfence.sel $0x180000  }
0x123: {  	[bflag:$0x0] =	sbarrier.arrive $0xFFFF  }
0x124: {  	p0 =	sne.s32 s1, $0x0;
	_ =	strace $0x90000047  }
0x125: {  	s0 =	sadd.s32 @!p0 $0x100000, s0;
	[bflag:$0x2] =	sbarrier.arrive $0xFFFF  }
0x126: {  	[sflag:s0] =	ssyncadd.tile.s32 @!p0 $0x1;
	_ =	shalt  }
.Lfunc_end2:
_tile_overlayer_lowered:
.L_overlay_start_2:
0x127: {  	(tag) =	ssettag $0x2  }
0x128: {  	s0 =	rddreg [dreg:$0x0];
	s2 =	stileid.u32  }
0x129: {  	s1 =	rddreg [dreg:$0x1];
	p0 =	sne.s32 s2, $0x0  }
0x12a: {  	s3 =	rddreg [dreg:$0x2];
	[bflag:$0x3] =	sbarrier.arrive $0xFFFF;
	s2 =	simm.s32 @!p0 $0x1C02  }
0x12b: {  	[timem:s3], [sflag:s2] =	dma.local @!p0 [hbm:s0], s1  }
0x12c: {  	s0 =	simm.s32 @!p0 $0x2  }
0x12d: {  	_ =	swait.ge @!p0 [sflag:s0], s1  }
0x12e: {  	s1 =	ssub.s32 @!p0 $0x0, s1;
	[sflag:s0] =	ssyncset.done @!p0 $0x0  }
0x12f: {  	[sflag:s0] =	ssyncadd.s32 @!p0 s1  }
0x130: {  	[bflag:$0x3] =	sbarrier.arrive $0xFFFF  }
0x131: {  	_ =	shalt  }

</sc_bundles>
